<compile_context>
chip_gen: v7x
topology: tpu7x:2x2x1
jax: 0.10.2.dev20260603
libtpu: 0.0.44.dev20260713+nightly
codegen_flags: <defaults>
</compile_context>

<pallas_src>
import jax
import jax.numpy as jnp
from jax.experimental import pallas as pl

B_, H_, W_ = 4, 256, 256
HW_ = H_ * W_
TOTAL_ = B_ * HW_
C_IN_, C1_, C2_ = 128, 96, 64
BR = 8


def _conv_block(cat3, maskc, Wk, r0, c_out):
    cin = cat3.shape[-1]
    rows = r0 + jax.lax.broadcasted_iota(jnp.int32, (BR, 1, 1), 0)
    y = rows % H_
    acc = jnp.zeros((BR * W_, c_out), jnp.float32)
    for dy in (-1, 0, 1):
        src = cat3[BR + dy:2 * BR + dy]
        valid = ((y + dy >= 0) & (y + dy < H_)).astype(jnp.float32)
        src = src * valid
        for dx in (-1, 0, 1):
            if dx == -1:
                sh = jnp.concatenate(
                    [jnp.zeros((BR, 1, cin), jnp.float32), src[:, :-1, :]], axis=1)
            elif dx == 1:
                sh = jnp.concatenate(
                    [src[:, 1:, :], jnp.zeros((BR, 1, cin), jnp.float32)], axis=1)
            else:
                sh = src
            acc = acc + jnp.dot(sh.reshape(BR * W_, cin), Wk[dy + 1, dx + 1],
                                preferred_element_type=jnp.float32)
    hm = acc.reshape(BR, W_, c_out) * maskc[:, :, None]
    s1 = hm.sum(axis=(0, 1))
    s2 = (hm * hm).sum(axis=(0, 1))
    return hm, s1, s2


def _k1(gm, gc, gp, mc, w1, out, s1o, s2o):
    cat3 = jnp.concatenate([gm[...], gc[...], gp[...]], axis=0)
    r0 = pl.program_id(0) * BR
    hm, s1, s2 = _conv_block(cat3, mc[...], w1[...], r0, C1_)
    out[...] = hm
    s1o[...] = s1.reshape(1, 1, C1_)
    s2o[...] = s2.reshape(1, 1, C1_)


def _k2(hm_, hc_, hp_, mm_, mc_, mp_, ge, be, w2, out, s1o, s2o):
    cat3 = jnp.concatenate([hm_[...], hc_[...], hp_[...]], axis=0)
    catm = jnp.concatenate([mm_[...], mc_[...], mp_[...]], axis=0)
    g = ge[...].reshape(1, 1, C1_)
    b = be[...].reshape(1, 1, C1_)
    catn = jax.nn.relu(cat3 * g + b) * catm[:, :, None]
    r0 = pl.program_id(0) * BR
    hm, s1, s2 = _conv_block(catn, mc_[...], w2[...], r0, C2_)
    out[...] = hm
    s1o[...] = s1.reshape(1, 1, C2_)
    s2o[...] = s2.reshape(1, 1, C2_)


def _k3(x, ge, be, out):
    out[...] = jax.nn.relu(x[...] * ge[...].reshape(1, C2_) + be[...].reshape(1, C2_))


def _affine(s1, s2, count, gamma, beta):
    mean = s1 / count
    var = s2 / count - mean * mean
    inv = gamma / jnp.sqrt(var + 1e-5)
    return inv, beta - mean * inv


def kernel(ego_feats, col_feats, W1, g1, b1, W2, g2, b2, ego_lin, col_lin):
    nb = (B_ * H_) // BR
    ego_pad = jnp.concatenate([ego_feats, jnp.zeros_like(ego_feats)], axis=1)
    col_pad = jnp.concatenate([jnp.zeros_like(col_feats), col_feats], axis=1)
    grid = (jnp.zeros((TOTAL_, C_IN_), jnp.float32)
            .at[ego_lin].add(ego_pad).at[col_lin].add(col_pad))
    mask = (jnp.zeros((TOTAL_,), jnp.float32)
            .at[ego_lin].set(1.0).at[col_lin].set(1.0))
    count = mask.sum()

    grid3 = grid.reshape(B_ * H_, W_, C_IN_)
    mask2 = mask.reshape(B_ * H_, W_)
    gpad = jnp.pad(grid3, ((BR, BR), (0, 0), (0, 0)))
    mpad = jnp.pad(mask2, ((BR, BR), (0, 0)))

    shift_specs = lambda c: [
        pl.BlockSpec((BR, W_, c), lambda i: (i, 0, 0)),
        pl.BlockSpec((BR, W_, c), lambda i: (i + 1, 0, 0)),
        pl.BlockSpec((BR, W_, c), lambda i: (i + 2, 0, 0)),
    ]
    mshift_specs = [
        pl.BlockSpec((BR, W_), lambda i: (i, 0)),
        pl.BlockSpec((BR, W_), lambda i: (i + 1, 0)),
        pl.BlockSpec((BR, W_), lambda i: (i + 2, 0)),
    ]
    stat_spec = lambda c: pl.BlockSpec((1, 1, c), lambda i: (i, 0, 0))
    full = lambda shape: pl.BlockSpec(shape, lambda i: tuple(0 for _ in shape))

    h1, s11, s12 = pl.pallas_call(
        _k1,
        grid=(nb,),
        in_specs=shift_specs(C_IN_) + [
            pl.BlockSpec((BR, W_), lambda i: (i, 0)),
            full((3, 3, C_IN_, C1_)),
        ],
        out_specs=[
            pl.BlockSpec((BR, W_, C1_), lambda i: (i, 0, 0)),
            stat_spec(C1_), stat_spec(C1_),
        ],
        out_shape=[
            jax.ShapeDtypeStruct((B_ * H_, W_, C1_), jnp.float32),
            jax.ShapeDtypeStruct((nb, 1, C1_), jnp.float32),
            jax.ShapeDtypeStruct((nb, 1, C1_), jnp.float32),
        ],
    )(gpad, gpad, gpad, mask2, W1)

    ge1, be1 = _affine(s11.sum(axis=(0, 1)), s12.sum(axis=(0, 1)), count, g1, b1)

    h1pad = jnp.pad(h1, ((BR, BR), (0, 0), (0, 0)))
    h2, s21, s22 = pl.pallas_call(
        _k2,
        grid=(nb,),
        in_specs=shift_specs(C1_) + mshift_specs + [
            full((1, C1_)), full((1, C1_)), full((3, 3, C1_, C2_)),
        ],
        out_specs=[
            pl.BlockSpec((BR, W_, C2_), lambda i: (i, 0, 0)),
            stat_spec(C2_), stat_spec(C2_),
        ],
        out_shape=[
            jax.ShapeDtypeStruct((B_ * H_, W_, C2_), jnp.float32),
            jax.ShapeDtypeStruct((nb, 1, C2_), jnp.float32),
            jax.ShapeDtypeStruct((nb, 1, C2_), jnp.float32),
        ],
    )(h1pad, h1pad, h1pad, mpad, mpad, mpad,
      ge1.reshape(1, C1_), be1.reshape(1, C1_), W2)

    ge2, be2 = _affine(s21.sum(axis=(0, 1)), s22.sum(axis=(0, 1)), count, g2, b2)

    active = jnp.concatenate([ego_lin, col_lin]).astype(jnp.int32)
    n_act = active.shape[0]
    blk = 2048
    n_pad = ((n_act + blk - 1) // blk) * blk
    act_p = jnp.pad(active, (0, n_pad - n_act))
    h2g = h2.reshape(TOTAL_, C2_)[act_p]

    out = pl.pallas_call(
        _k3,
        grid=(n_pad // blk,),
        in_specs=[
            pl.BlockSpec((blk, C2_), lambda i: (i, 0)),
            full((1, C2_)), full((1, C2_)),
        ],
        out_specs=pl.BlockSpec((blk, C2_), lambda i: (i, 0)),
        out_shape=jax.ShapeDtypeStruct((n_pad, C2_), jnp.float32),
    )(h2g, ge2.reshape(1, C2_), be2.reshape(1, C2_))
    return out[:n_act]

# --- scband reference (transcript-rebuilt; emitter-appended) ---
"""Pipeline reference for scband-sparse-vote-fusion-24704651886687 (READ-ONLY COPY).

The authoritative reference and input builder live on the scoring server;
editing this copy changes nothing except your own understanding.
"""

import jax, jax.numpy as jnp
import numpy as np

B, H, W = 4, 256, 256
HW = H * W
TOTAL = B * HW
C_IN, C1, C2 = 128, 96, 64
N = 50000

def setup_inputs(seed: int = 0):
    key = jax.random.key(seed)
    ks = jax.random.split(key, 8)
    ego_feats = jax.random.normal(ks[0], (N, C_IN // 2), dtype=jnp.float32)
    col_feats = jax.random.normal(ks[1], (N, C_IN // 2), dtype=jnp.float32)
    ego_lin = jax.random.randint(ks[2], (N,), 0, TOTAL)
    col_lin = jax.random.randint(ks[3], (N,), 0, TOTAL)
    W1 = jax.random.normal(ks[4], (3, 3, C_IN, C1), dtype=jnp.float32) * 0.05
    g1 = jnp.ones((C1,), jnp.float32)
    b1 = jnp.zeros((C1,), jnp.float32)
    W2 = jax.random.normal(ks[5], (3, 3, C1, C2), dtype=jnp.float32) * 0.05
    g2 = jnp.ones((C2,), jnp.float32)
    b2 = jnp.zeros((C2,), jnp.float32)
    return {"ego_feats": ego_feats, "col_feats": col_feats, "W1": W1, "g1": g1, "b1": b1, "W2": W2, "g2": g2, "b2": b2, "ego_lin": ego_lin, "col_lin": col_lin}

def _subm_conv(grid, lin, Wk):
    # submanifold 3x3 conv: outputs only at active sites; inactive grid cells are zero,
    # so gathering them contributes nothing (matches SubMConv2d semantics).
    b = lin // HW
    rem = lin % HW
    y = rem // W
    x = rem % W
    out = jnp.zeros((lin.shape[0], Wk.shape[-1]), jnp.float32)
    for dy in (-1, 0, 1):
        for dx in (-1, 0, 1):
            ny = y + dy
            nx = x + dx
            valid = ((ny >= 0) & (ny < H) & (nx >= 0) & (nx < W)).astype(jnp.float32)[:, None]
            nlin = b * HW + jnp.clip(ny, 0, H - 1) * W + jnp.clip(nx, 0, W - 1)
            out = out + (grid[nlin] * valid) @ Wk[dy + 1, dx + 1]
    return out

def _bn_relu(grid, maskf, count, gamma, beta):
    # BatchNorm1d (training mode) over active voxel features only (unique coords via mask)
    mean = (grid * maskf).sum(0) / count
    var = (((grid - mean) * maskf) ** 2).sum(0) / count
    g = (grid - mean) / jnp.sqrt(var + 1e-5) * gamma + beta
    return jax.nn.relu(g * maskf)

def reference(ego_feats, col_feats, W1, g1, b1, W2, g2, b2, ego_lin, col_lin):
    # replace_feature: pad each branch to 128ch with zeros (ego -> first 64, col -> last 64)
    ego_pad = jnp.concatenate([ego_feats, jnp.zeros_like(ego_feats)], axis=1)
    col_pad = jnp.concatenate([jnp.zeros_like(col_feats), col_feats], axis=1)
    # sparse_add_hash_based: scatter-add both branches into a shared hash (dense flat grid)
    grid = jnp.zeros((TOTAL, C_IN), jnp.float32).at[ego_lin].add(ego_pad).at[col_lin].add(col_pad)
    mask = jnp.zeros((TOTAL,), jnp.float32).at[ego_lin].set(1.0).at[col_lin].set(1.0)
    maskf = mask[:, None]
    count = mask.sum()
    active = jnp.concatenate([ego_lin, col_lin])
    h = jnp.zeros((TOTAL, C1), jnp.float32).at[active].set(_subm_conv(grid, active, W1))
    h = _bn_relu(h, maskf, count, g1, b1)
    h2 = jnp.zeros((TOTAL, C2), jnp.float32).at[active].set(_subm_conv(h, active, W2))
    h2 = _bn_relu(h2, maskf, count, g2, b2)
    # return fused sparse features at the active sites
    return h2[active]

if __name__ == "__main__":
    import jax
    _d = setup_inputs()
    print(jax.jit(kernel)(*tuple(_d.values())))

</pallas_src>

<mosaic_0001>
module attributes {stable_mosaic.version = 14 : i64} {
  func.func @_k1(%arg0: i32, %arg1: memref<8x256x128xf32, #tpu.memory_space<vmem>>, %arg2: memref<8x256x128xf32, #tpu.memory_space<vmem>>, %arg3: memref<8x256x128xf32, #tpu.memory_space<vmem>>, %arg4: memref<8x256xf32, #tpu.memory_space<vmem>>, %arg5: memref<3x3x128x96xf32, #tpu.memory_space<vmem>>, %arg6: memref<8x256x96xf32, #tpu.memory_space<vmem>>, %arg7: memref<1x1x96xf32, #tpu.memory_space<vmem>>, %arg8: memref<1x1x96xf32, #tpu.memory_space<vmem>>) attributes {dimension_semantics = [#tpu.dimension_semantics<arbitrary>], iteration_bounds = array<i64: 128>, scalar_prefetch = 0 : i64, scratch_operands = 0 : i64, tpu.core_type = #tpu.core_type<tc>, window_params = [{transform_indices = @transform_0, window_bounds = array<i64: 8, 256, 128>}, {transform_indices = @transform_1, window_bounds = array<i64: 8, 256, 128>}, {transform_indices = @transform_2, window_bounds = array<i64: 8, 256, 128>}, {transform_indices = @transform_3, window_bounds = array<i64: 8, 256>}, {pipeline_mode = #tpu.pipeline_mode<synchronous>, transform_indices = @transform_4, window_bounds = array<i64: 3, 3, 128, 96>}, {transform_indices = @transform_5, window_bounds = array<i64: 8, 256, 96>}, {transform_indices = @transform_6, window_bounds = array<i64: 1, 1, 96>}, {transform_indices = @transform_7, window_bounds = array<i64: 1, 1, 96>}]} {
    %get3A = arith.constant 0 : index
    %get3A_0 = arith.constant 0 : index
    %get3A_1 = arith.constant 0 : index
    %get3A_2 = vector.load %arg1[%get3A, %get3A_0, %get3A_1] : memref<8x256x128xf32, #tpu.memory_space<vmem>>, vector<8x256x128xf32>
    %get3A_3 = arith.constant 0 : index
    %get3A_4 = arith.constant 0 : index
    %get3A_5 = arith.constant 0 : index
    %get3A_6 = vector.load %arg2[%get3A_3, %get3A_4, %get3A_5] : memref<8x256x128xf32, #tpu.memory_space<vmem>>, vector<8x256x128xf32>
    %get3A_7 = arith.constant 0 : index
    %get3A_8 = arith.constant 0 : index
    %get3A_9 = arith.constant 0 : index
    %get3A_10 = vector.load %arg3[%get3A_7, %get3A_8, %get3A_9] : memref<8x256x128xf32, #tpu.memory_space<vmem>>, vector<8x256x128xf32>
    %concatenate3A = tpu.concatenate %get3A_2, %get3A_6, %get3A_10 in 0 : vector<8x256x128xf32>, vector<8x256x128xf32>, vector<8x256x128xf32> -> vector<24x256x128xf32>
    %mul3A = arith.constant 8 : i32
    %mul3A_11 = arith.muli %arg0, %mul3A : i32
    %get3A_12 = arith.constant 0 : index
    %get3A_13 = arith.constant 0 : index
    %get3A_14 = vector.load %arg4[%get3A_12, %get3A_13] : memref<8x256xf32, #tpu.memory_space<vmem>>, vector<8x256xf32>
    %get3A_15 = arith.constant 0 : index
    %get3A_16 = arith.constant 0 : index
    %get3A_17 = arith.constant 0 : index
    %get3A_18 = arith.constant 0 : index
    %get3A_19 = vector.load %arg5[%get3A_15, %get3A_16, %get3A_17, %get3A_18] : memref<3x3x128x96xf32, #tpu.memory_space<vmem>>, vector<3x3x128x96xf32>
    %iota3A = tpu.iota {dimensions = array<i32: 0>} : vector<8x1x1xi32>
    %add3A = vector.broadcast %mul3A_11 : i32 to vector<8x1x1xi32>
    %add3A_20 = arith.addi %add3A, %iota3A : vector<8x1x1xi32>
    %jit3A = arith.constant 256 : i32
    %eq3A = arith.constant 0 : i32
    %eq3A_21 = arith.cmpi eq, %jit3A, %eq3A : i32
    %jit3A_22 = arith.constant 1 : i32
    %select_n3A = arith.select %eq3A_21, %jit3A_22, %jit3A : i32
    %rem3A = vector.broadcast %select_n3A : i32 to vector<8x1x1xi32>
    %rem3A_23 = arith.remsi %add3A_20, %rem3A : vector<8x1x1xi32>
    %ne3A = arith.constant 0 : i32
    %ne3A_24 = vector.broadcast %ne3A : i32 to vector<8x1x1xi32>
    %ne3A_25 = arith.cmpi ne, %rem3A_23, %ne3A_24 : vector<8x1x1xi32>
    %lt3A = arith.constant 0 : i32
    %lt3A_26 = vector.broadcast %lt3A : i32 to vector<8x1x1xi32>
    %lt3A_27 = arith.cmpi slt, %rem3A_23, %lt3A_26 : vector<8x1x1xi32>
    %lt3A_28 = arith.constant 0 : i32
    %lt3A_29 = arith.cmpi slt, %select_n3A, %lt3A_28 : i32
    %ne3A_30 = vector.broadcast %lt3A_29 : i1 to vector<8x1x1xi1>
    %ne3A_31 = vector.broadcast %ne3A_30 : vector<8x1x1xi1> to vector<8x1x1xi1>
    %ne3A_32 = arith.xori %lt3A_27, %ne3A_31 : vector<8x1x1xi1>
    %and3A = arith.andi %ne3A_32, %ne3A_25 : vector<8x1x1xi1>
    %add3A_33 = vector.broadcast %select_n3A : i32 to vector<8x1x1xi32>
    %add3A_34 = arith.addi %rem3A_23, %add3A_33 : vector<8x1x1xi32>
    %select_n3A_35 = arith.select %and3A, %add3A_34, %rem3A_23 : vector<8x1x1xi1>, vector<8x1x1xi32>
    %broadcast_in_dim3A = arith.constant 0.000000e+00 : f32
    %broadcast_in_dim3A_36 = vector.broadcast %broadcast_in_dim3A : f32 to vector<2048x96xf32>
    %slice3A = vector.extract_strided_slice %concatenate3A {offsets = [7, 0, 0], sizes = [8, 256, 128], strides = [1, 1, 1]} : vector<24x256x128xf32> to vector<8x256x128xf32>
    %add3A_37 = arith.constant -1 : i32
    %add3A_38 = vector.broadcast %add3A_37 : i32 to vector<8x1x1xi32>
    %add3A_39 = arith.addi %select_n3A_35, %add3A_38 : vector<8x1x1xi32>
    %ge3A = arith.constant 0 : i32
    %ge3A_40 = vector.broadcast %ge3A : i32 to vector<8x1x1xi32>
    %ge3A_41 = arith.cmpi sge, %add3A_39, %ge3A_40 : vector<8x1x1xi32>
    %add3A_42 = arith.constant -1 : i32
    %add3A_43 = vector.broadcast %add3A_42 : i32 to vector<8x1x1xi32>
    %add3A_44 = arith.addi %select_n3A_35, %add3A_43 : vector<8x1x1xi32>
    %lt3A_45 = arith.constant 256 : i32
    %lt3A_46 = vector.broadcast %lt3A_45 : i32 to vector<8x1x1xi32>
    %lt3A_47 = arith.cmpi slt, %add3A_44, %lt3A_46 : vector<8x1x1xi32>
    %and3A_48 = arith.andi %ge3A_41, %lt3A_47 : vector<8x1x1xi1>
    %convert_element_type3A = arith.extui %and3A_48 : vector<8x1x1xi1> to vector<8x1x1xi32>
    %convert_element_type3A_49 = arith.sitofp %convert_element_type3A : vector<8x1x1xi32> to vector<8x1x1xf32>
    %mul3A_50 = vector.broadcast %convert_element_type3A_49 : vector<8x1x1xf32> to vector<8x256x128xf32>
    %mul3A_51 = arith.mulf %slice3A, %mul3A_50 : vector<8x256x128xf32>
    %broadcast_in_dim3A_52 = arith.constant 0.000000e+00 : f32
    %broadcast_in_dim3A_53 = vector.broadcast %broadcast_in_dim3A_52 : f32 to vector<8x1x128xf32>
    %slice3A_54 = vector.extract_strided_slice %mul3A_51 {offsets = [0, 0, 0], sizes = [8, 255, 128], strides = [1, 1, 1]} : vector<8x256x128xf32> to vector<8x255x128xf32>
    %concatenate3A_55 = tpu.concatenate %broadcast_in_dim3A_53, %slice3A_54 in 1 : vector<8x1x128xf32>, vector<8x255x128xf32> -> vector<8x256x128xf32>
    %reshape3A = vector.shape_cast %concatenate3A_55 : vector<8x256x128xf32> to vector<2048x128xf32>
    %slice3A_56 = vector.extract_strided_slice %get3A_19 {offsets = [0, 0, 0, 0], sizes = [1, 1, 128, 96], strides = [1, 1, 1, 1]} : vector<3x3x128x96xf32> to vector<1x1x128x96xf32>
    %squeeze3A = vector.shape_cast %slice3A_56 : vector<1x1x128x96xf32> to vector<128x96xf32>
    %dot_general3A = arith.constant dense<0.000000e+00> : vector<2048x96xf32>
    %dot_general3A_57 = tpu.matmul %reshape3A, %squeeze3A, %dot_general3A {dimension_numbers = #tpu.dot_dimension_numbers<[1], [0], [0], [1], [0, 0, 1, 1], [], []>, transpose_lhs_hint = false} : vector<2048x128xf32>, vector<128x96xf32>, vector<2048x96xf32> -> vector<2048x96xf32>
    %add3A_58 = arith.addf %broadcast_in_dim3A_36, %dot_general3A_57 : vector<2048x96xf32>
    %reshape3A_59 = vector.shape_cast %mul3A_51 : vector<8x256x128xf32> to vector<2048x128xf32>
    %slice3A_60 = vector.extract_strided_slice %get3A_19 {offsets = [0, 1, 0, 0], sizes = [1, 1, 128, 96], strides = [1, 1, 1, 1]} : vector<3x3x128x96xf32> to vector<1x1x128x96xf32>
    %squeeze3A_61 = vector.shape_cast %slice3A_60 : vector<1x1x128x96xf32> to vector<128x96xf32>
    %dot_general3A_62 = arith.constant dense<0.000000e+00> : vector<2048x96xf32>
    %dot_general3A_63 = tpu.matmul %reshape3A_59, %squeeze3A_61, %dot_general3A_62 {dimension_numbers = #tpu.dot_dimension_numbers<[1], [0], [0], [1], [0, 0, 1, 1], [], []>, transpose_lhs_hint = false} : vector<2048x128xf32>, vector<128x96xf32>, vector<2048x96xf32> -> vector<2048x96xf32>
    %add3A_64 = arith.addf %add3A_58, %dot_general3A_63 : vector<2048x96xf32>
    %slice3A_65 = vector.extract_strided_slice %mul3A_51 {offsets = [0, 1, 0], sizes = [8, 255, 128], strides = [1, 1, 1]} : vector<8x256x128xf32> to vector<8x255x128xf32>
    %broadcast_in_dim3A_66 = arith.constant 0.000000e+00 : f32
    %broadcast_in_dim3A_67 = vector.broadcast %broadcast_in_dim3A_66 : f32 to vector<8x1x128xf32>
    %concatenate3A_68 = tpu.concatenate %slice3A_65, %broadcast_in_dim3A_67 in 1 : vector<8x255x128xf32>, vector<8x1x128xf32> -> vector<8x256x128xf32>
    %reshape3A_69 = vector.shape_cast %concatenate3A_68 : vector<8x256x128xf32> to vector<2048x128xf32>
    %slice3A_70 = vector.extract_strided_slice %get3A_19 {offsets = [0, 2, 0, 0], sizes = [1, 1, 128, 96], strides = [1, 1, 1, 1]} : vector<3x3x128x96xf32> to vector<1x1x128x96xf32>
    %squeeze3A_71 = vector.shape_cast %slice3A_70 : vector<1x1x128x96xf32> to vector<128x96xf32>
    %dot_general3A_72 = arith.constant dense<0.000000e+00> : vector<2048x96xf32>
    %dot_general3A_73 = tpu.matmul %reshape3A_69, %squeeze3A_71, %dot_general3A_72 {dimension_numbers = #tpu.dot_dimension_numbers<[1], [0], [0], [1], [0, 0, 1, 1], [], []>, transpose_lhs_hint = false} : vector<2048x128xf32>, vector<128x96xf32>, vector<2048x96xf32> -> vector<2048x96xf32>
    %add3A_74 = arith.addf %add3A_64, %dot_general3A_73 : vector<2048x96xf32>
    %slice3A_75 = vector.extract_strided_slice %concatenate3A {offsets = [8, 0, 0], sizes = [8, 256, 128], strides = [1, 1, 1]} : vector<24x256x128xf32> to vector<8x256x128xf32>
    %add3A_76 = arith.constant 0 : i32
    %add3A_77 = vector.broadcast %add3A_76 : i32 to vector<8x1x1xi32>
    %add3A_78 = arith.addi %select_n3A_35, %add3A_77 : vector<8x1x1xi32>
    %ge3A_79 = arith.constant 0 : i32
    %ge3A_80 = vector.broadcast %ge3A_79 : i32 to vector<8x1x1xi32>
    %ge3A_81 = arith.cmpi sge, %add3A_78, %ge3A_80 : vector<8x1x1xi32>
    %add3A_82 = arith.constant 0 : i32
    %add3A_83 = vector.broadcast %add3A_82 : i32 to vector<8x1x1xi32>
    %add3A_84 = arith.addi %select_n3A_35, %add3A_83 : vector<8x1x1xi32>
    %lt3A_85 = arith.constant 256 : i32
    %lt3A_86 = vector.broadcast %lt3A_85 : i32 to vector<8x1x1xi32>
    %lt3A_87 = arith.cmpi slt, %add3A_84, %lt3A_86 : vector<8x1x1xi32>
    %and3A_88 = arith.andi %ge3A_81, %lt3A_87 : vector<8x1x1xi1>
    %convert_element_type3A_89 = arith.extui %and3A_88 : vector<8x1x1xi1> to vector<8x1x1xi32>
    %convert_element_type3A_90 = arith.sitofp %convert_element_type3A_89 : vector<8x1x1xi32> to vector<8x1x1xf32>
    %mul3A_91 = vector.broadcast %convert_element_type3A_90 : vector<8x1x1xf32> to vector<8x256x128xf32>
    %mul3A_92 = arith.mulf %slice3A_75, %mul3A_91 : vector<8x256x128xf32>
    %broadcast_in_dim3A_93 = arith.constant 0.000000e+00 : f32
    %broadcast_in_dim3A_94 = vector.broadcast %broadcast_in_dim3A_93 : f32 to vector<8x1x128xf32>
    %slice3A_95 = vector.extract_strided_slice %mul3A_92 {offsets = [0, 0, 0], sizes = [8, 255, 128], strides = [1, 1, 1]} : vector<8x256x128xf32> to vector<8x255x128xf32>
    %concatenate3A_96 = tpu.concatenate %broadcast_in_dim3A_94, %slice3A_95 in 1 : vector<8x1x128xf32>, vector<8x255x128xf32> -> vector<8x256x128xf32>
    %reshape3A_97 = vector.shape_cast %concatenate3A_96 : vector<8x256x128xf32> to vector<2048x128xf32>
    %slice3A_98 = vector.extract_strided_slice %get3A_19 {offsets = [1, 0, 0, 0], sizes = [1, 1, 128, 96], strides = [1, 1, 1, 1]} : vector<3x3x128x96xf32> to vector<1x1x128x96xf32>
    %squeeze3A_99 = vector.shape_cast %slice3A_98 : vector<1x1x128x96xf32> to vector<128x96xf32>
    %dot_general3A_100 = arith.constant dense<0.000000e+00> : vector<2048x96xf32>
    %dot_general3A_101 = tpu.matmul %reshape3A_97, %squeeze3A_99, %dot_general3A_100 {dimension_numbers = #tpu.dot_dimension_numbers<[1], [0], [0], [1], [0, 0, 1, 1], [], []>, transpose_lhs_hint = false} : vector<2048x128xf32>, vector<128x96xf32>, vector<2048x96xf32> -> vector<2048x96xf32>
    %add3A_102 = arith.addf %add3A_74, %dot_general3A_101 : vector<2048x96xf32>
    %reshape3A_103 = vector.shape_cast %mul3A_92 : vector<8x256x128xf32> to vector<2048x128xf32>
    %slice3A_104 = vector.extract_strided_slice %get3A_19 {offsets = [1, 1, 0, 0], sizes = [1, 1, 128, 96], strides = [1, 1, 1, 1]} : vector<3x3x128x96xf32> to vector<1x1x128x96xf32>
    %squeeze3A_105 = vector.shape_cast %slice3A_104 : vector<1x1x128x96xf32> to vector<128x96xf32>
    %dot_general3A_106 = arith.constant dense<0.000000e+00> : vector<2048x96xf32>
    %dot_general3A_107 = tpu.matmul %reshape3A_103, %squeeze3A_105, %dot_general3A_106 {dimension_numbers = #tpu.dot_dimension_numbers<[1], [0], [0], [1], [0, 0, 1, 1], [], []>, transpose_lhs_hint = false} : vector<2048x128xf32>, vector<128x96xf32>, vector<2048x96xf32> -> vector<2048x96xf32>
    %add3A_108 = arith.addf %add3A_102, %dot_general3A_107 : vector<2048x96xf32>
    %slice3A_109 = vector.extract_strided_slice %mul3A_92 {offsets = [0, 1, 0], sizes = [8, 255, 128], strides = [1, 1, 1]} : vector<8x256x128xf32> to vector<8x255x128xf32>
    %broadcast_in_dim3A_110 = arith.constant 0.000000e+00 : f32
    %broadcast_in_dim3A_111 = vector.broadcast %broadcast_in_dim3A_110 : f32 to vector<8x1x128xf32>
    %concatenate3A_112 = tpu.concatenate %slice3A_109, %broadcast_in_dim3A_111 in 1 : vector<8x255x128xf32>, vector<8x1x128xf32> -> vector<8x256x128xf32>
    %reshape3A_113 = vector.shape_cast %concatenate3A_112 : vector<8x256x128xf32> to vector<2048x128xf32>
    %slice3A_114 = vector.extract_strided_slice %get3A_19 {offsets = [1, 2, 0, 0], sizes = [1, 1, 128, 96], strides = [1, 1, 1, 1]} : vector<3x3x128x96xf32> to vector<1x1x128x96xf32>
    %squeeze3A_115 = vector.shape_cast %slice3A_114 : vector<1x1x128x96xf32> to vector<128x96xf32>
    %dot_general3A_116 = arith.constant dense<0.000000e+00> : vector<2048x96xf32>
    %dot_general3A_117 = tpu.matmul %reshape3A_113, %squeeze3A_115, %dot_general3A_116 {dimension_numbers = #tpu.dot_dimension_numbers<[1], [0], [0], [1], [0, 0, 1, 1], [], []>, transpose_lhs_hint = false} : vector<2048x128xf32>, vector<128x96xf32>, vector<2048x96xf32> -> vector<2048x96xf32>
    %add3A_118 = arith.addf %add3A_108, %dot_general3A_117 : vector<2048x96xf32>
    %slice3A_119 = vector.extract_strided_slice %concatenate3A {offsets = [9, 0, 0], sizes = [8, 256, 128], strides = [1, 1, 1]} : vector<24x256x128xf32> to vector<8x256x128xf32>
    %add3A_120 = arith.constant 1 : i32
    %add3A_121 = vector.broadcast %add3A_120 : i32 to vector<8x1x1xi32>
    %add3A_122 = arith.addi %select_n3A_35, %add3A_121 : vector<8x1x1xi32>
    %ge3A_123 = arith.constant 0 : i32
    %ge3A_124 = vector.broadcast %ge3A_123 : i32 to vector<8x1x1xi32>
    %ge3A_125 = arith.cmpi sge, %add3A_122, %ge3A_124 : vector<8x1x1xi32>
    %add3A_126 = arith.constant 1 : i32
    %add3A_127 = vector.broadcast %add3A_126 : i32 to vector<8x1x1xi32>
    %add3A_128 = arith.addi %select_n3A_35, %add3A_127 : vector<8x1x1xi32>
    %lt3A_129 = arith.constant 256 : i32
    %lt3A_130 = vector.broadcast %lt3A_129 : i32 to vector<8x1x1xi32>
    %lt3A_131 = arith.cmpi slt, %add3A_128, %lt3A_130 : vector<8x1x1xi32>
    %and3A_132 = arith.andi %ge3A_125, %lt3A_131 : vector<8x1x1xi1>
    %convert_element_type3A_133 = arith.extui %and3A_132 : vector<8x1x1xi1> to vector<8x1x1xi32>
    %convert_element_type3A_134 = arith.sitofp %convert_element_type3A_133 : vector<8x1x1xi32> to vector<8x1x1xf32>
    %mul3A_135 = vector.broadcast %convert_element_type3A_134 : vector<8x1x1xf32> to vector<8x256x128xf32>
    %mul3A_136 = arith.mulf %slice3A_119, %mul3A_135 : vector<8x256x128xf32>
    %broadcast_in_dim3A_137 = arith.constant 0.000000e+00 : f32
    %broadcast_in_dim3A_138 = vector.broadcast %broadcast_in_dim3A_137 : f32 to vector<8x1x128xf32>
    %slice3A_139 = vector.extract_strided_slice %mul3A_136 {offsets = [0, 0, 0], sizes = [8, 255, 128], strides = [1, 1, 1]} : vector<8x256x128xf32> to vector<8x255x128xf32>
    %concatenate3A_140 = tpu.concatenate %broadcast_in_dim3A_138, %slice3A_139 in 1 : vector<8x1x128xf32>, vector<8x255x128xf32> -> vector<8x256x128xf32>
    %reshape3A_141 = vector.shape_cast %concatenate3A_140 : vector<8x256x128xf32> to vector<2048x128xf32>
    %slice3A_142 = vector.extract_strided_slice %get3A_19 {offsets = [2, 0, 0, 0], sizes = [1, 1, 128, 96], strides = [1, 1, 1, 1]} : vector<3x3x128x96xf32> to vector<1x1x128x96xf32>
    %squeeze3A_143 = vector.shape_cast %slice3A_142 : vector<1x1x128x96xf32> to vector<128x96xf32>
    %dot_general3A_144 = arith.constant dense<0.000000e+00> : vector<2048x96xf32>
    %dot_general3A_145 = tpu.matmul %reshape3A_141, %squeeze3A_143, %dot_general3A_144 {dimension_numbers = #tpu.dot_dimension_numbers<[1], [0], [0], [1], [0, 0, 1, 1], [], []>, transpose_lhs_hint = false} : vector<2048x128xf32>, vector<128x96xf32>, vector<2048x96xf32> -> vector<2048x96xf32>
    %add3A_146 = arith.addf %add3A_118, %dot_general3A_145 : vector<2048x96xf32>
    %reshape3A_147 = vector.shape_cast %mul3A_136 : vector<8x256x128xf32> to vector<2048x128xf32>
    %slice3A_148 = vector.extract_strided_slice %get3A_19 {offsets = [2, 1, 0, 0], sizes = [1, 1, 128, 96], strides = [1, 1, 1, 1]} : vector<3x3x128x96xf32> to vector<1x1x128x96xf32>
    %squeeze3A_149 = vector.shape_cast %slice3A_148 : vector<1x1x128x96xf32> to vector<128x96xf32>
    %dot_general3A_150 = arith.constant dense<0.000000e+00> : vector<2048x96xf32>
    %dot_general3A_151 = tpu.matmul %reshape3A_147, %squeeze3A_149, %dot_general3A_150 {dimension_numbers = #tpu.dot_dimension_numbers<[1], [0], [0], [1], [0, 0, 1, 1], [], []>, transpose_lhs_hint = false} : vector<2048x128xf32>, vector<128x96xf32>, vector<2048x96xf32> -> vector<2048x96xf32>
    %add3A_152 = arith.addf %add3A_146, %dot_general3A_151 : vector<2048x96xf32>
    %slice3A_153 = vector.extract_strided_slice %mul3A_136 {offsets = [0, 1, 0], sizes = [8, 255, 128], strides = [1, 1, 1]} : vector<8x256x128xf32> to vector<8x255x128xf32>
    %broadcast_in_dim3A_154 = arith.constant 0.000000e+00 : f32
    %broadcast_in_dim3A_155 = vector.broadcast %broadcast_in_dim3A_154 : f32 to vector<8x1x128xf32>
    %concatenate3A_156 = tpu.concatenate %slice3A_153, %broadcast_in_dim3A_155 in 1 : vector<8x255x128xf32>, vector<8x1x128xf32> -> vector<8x256x128xf32>
    %reshape3A_157 = vector.shape_cast %concatenate3A_156 : vector<8x256x128xf32> to vector<2048x128xf32>
    %slice3A_158 = vector.extract_strided_slice %get3A_19 {offsets = [2, 2, 0, 0], sizes = [1, 1, 128, 96], strides = [1, 1, 1, 1]} : vector<3x3x128x96xf32> to vector<1x1x128x96xf32>
    %squeeze3A_159 = vector.shape_cast %slice3A_158 : vector<1x1x128x96xf32> to vector<128x96xf32>
    %dot_general3A_160 = arith.constant dense<0.000000e+00> : vector<2048x96xf32>
    %dot_general3A_161 = tpu.matmul %reshape3A_157, %squeeze3A_159, %dot_general3A_160 {dimension_numbers = #tpu.dot_dimension_numbers<[1], [0], [0], [1], [0, 0, 1, 1], [], []>, transpose_lhs_hint = false} : vector<2048x128xf32>, vector<128x96xf32>, vector<2048x96xf32> -> vector<2048x96xf32>
    %add3A_162 = arith.addf %add3A_152, %dot_general3A_161 : vector<2048x96xf32>
    %reshape3A_163 = vector.shape_cast %add3A_162 : vector<2048x96xf32> to vector<8x256x96xf32>
    %broadcast_in_dim3A_164 = vector.shape_cast %get3A_14 : vector<8x256xf32> to vector<8x256x1xf32>
    %mul3A_165 = vector.broadcast %broadcast_in_dim3A_164 : vector<8x256x1xf32> to vector<8x256x96xf32>
    %mul3A_166 = arith.mulf %reshape3A_163, %mul3A_165 : vector<8x256x96xf32>
    %reduce_sum3A = arith.constant dense<0.000000e+00> : vector<96xf32>
    %reduce_sum3A_167 = vector.multi_reduction <add>, %mul3A_166, %reduce_sum3A [0, 1] : vector<8x256x96xf32> to vector<96xf32>
    %mul3A_168 = arith.mulf %mul3A_166, %mul3A_166 : vector<8x256x96xf32>
    %reduce_sum3A_169 = arith.constant dense<0.000000e+00> : vector<96xf32>
    %reduce_sum3A_170 = vector.multi_reduction <add>, %mul3A_168, %reduce_sum3A_169 [0, 1] : vector<8x256x96xf32> to vector<96xf32>
    %swap3A = arith.constant 0 : index
    %swap3A_171 = arith.constant 0 : index
    %swap3A_172 = arith.constant 0 : index
    %swap3A_173 = vector.load %arg6[%swap3A, %swap3A_171, %swap3A_172] : memref<8x256x96xf32, #tpu.memory_space<vmem>>, vector<8x256x96xf32>
    tpu.vector_store %arg6[%swap3A, %swap3A_171, %swap3A_172], %mul3A_166 {strides = array<i32>} : memref<8x256x96xf32, #tpu.memory_space<vmem>>, vector<8x256x96xf32>,
    %reshape3A_174 = vector.shape_cast %reduce_sum3A_167 : vector<96xf32> to vector<1x1x96xf32>
    %swap3A_175 = arith.constant 0 : index
    %swap3A_176 = arith.constant 0 : index
    %swap3A_177 = arith.constant 0 : index
    %swap3A_178 = vector.load %arg7[%swap3A_175, %swap3A_176, %swap3A_177] : memref<1x1x96xf32, #tpu.memory_space<vmem>>, vector<1x1x96xf32>
    tpu.vector_store %arg7[%swap3A_175, %swap3A_176, %swap3A_177], %reshape3A_174 {strides = array<i32>} : memref<1x1x96xf32, #tpu.memory_space<vmem>>, vector<1x1x96xf32>,
    %reshape3A_179 = vector.shape_cast %reduce_sum3A_170 : vector<96xf32> to vector<1x1x96xf32>
    %swap3A_180 = arith.constant 0 : index
    %swap3A_181 = arith.constant 0 : index
    %swap3A_182 = arith.constant 0 : index
    %swap3A_183 = vector.load %arg8[%swap3A_180, %swap3A_181, %swap3A_182] : memref<1x1x96xf32, #tpu.memory_space<vmem>>, vector<1x1x96xf32>
    tpu.vector_store %arg8[%swap3A_180, %swap3A_181, %swap3A_182], %reshape3A_179 {strides = array<i32>} : memref<1x1x96xf32, #tpu.memory_space<vmem>>, vector<1x1x96xf32>,
    return
  }
  func.func @transform_0(%arg0: i32) -> (i32, i32, i32) {
    %c0_i32 = arith.constant 0 : i32
    %c0_i32_0 = arith.constant 0 : i32
    %c0_i32_1 = arith.constant 0 : i32
    return %arg0, %c0_i32, %c0_i32_0 : i32, i32, i32
  }
  func.func @transform_1(%arg0: i32) -> (i32, i32, i32) {
    %add3A = arith.constant 1 : i32
    %add3A_0 = arith.addi %arg0, %add3A : i32
    %c0_i32 = arith.constant 0 : i32
    %c0_i32_1 = arith.constant 0 : i32
    %c0_i32_2 = arith.constant 0 : i32
    return %add3A_0, %c0_i32, %c0_i32_1 : i32, i32, i32
  }
  func.func @transform_2(%arg0: i32) -> (i32, i32, i32) {
    %add3A = arith.constant 2 : i32
    %add3A_0 = arith.addi %arg0, %add3A : i32
    %c0_i32 = arith.constant 0 : i32
    %c0_i32_1 = arith.constant 0 : i32
    %c0_i32_2 = arith.constant 0 : i32
    return %add3A_0, %c0_i32, %c0_i32_1 : i32, i32, i32
  }
  func.func @transform_3(%arg0: i32) -> (i32, i32) {
    %c0_i32 = arith.constant 0 : i32
    %c0_i32_0 = arith.constant 0 : i32
    return %arg0, %c0_i32 : i32, i32
  }
  func.func @transform_4(%arg0: i32) -> (i32, i32, i32, i32) {
    %c0_i32 = arith.constant 0 : i32
    %c0_i32_0 = arith.constant 0 : i32
    %c0_i32_1 = arith.constant 0 : i32
    %c0_i32_2 = arith.constant 0 : i32
    %c0_i32_3 = arith.constant 0 : i32
    return %c0_i32, %c0_i32_0, %c0_i32_1, %c0_i32_2 : i32, i32, i32, i32
  }
  func.func @transform_5(%arg0: i32) -> (i32, i32, i32) {
    %c0_i32 = arith.constant 0 : i32
    %c0_i32_0 = arith.constant 0 : i32
    %c0_i32_1 = arith.constant 0 : i32
    return %arg0, %c0_i32, %c0_i32_0 : i32, i32, i32
  }
  func.func @transform_6(%arg0: i32) -> (i32, i32, i32) {
    %c0_i32 = arith.constant 0 : i32
    %c0_i32_0 = arith.constant 0 : i32
    %c0_i32_1 = arith.constant 0 : i32
    return %arg0, %c0_i32, %c0_i32_0 : i32, i32, i32
  }
  func.func @transform_7(%arg0: i32) -> (i32, i32, i32) {
    %c0_i32 = arith.constant 0 : i32
    %c0_i32_0 = arith.constant 0 : i32
    %c0_i32_1 = arith.constant 0 : i32
    return %arg0, %c0_i32, %c0_i32_0 : i32, i32, i32
  }
}

module attributes {stable_mosaic.version = 14 : i64} {
  func.func @_k2(%arg0: i32, %arg1: memref<8x256x96xf32, #tpu.memory_space<vmem>>, %arg2: memref<8x256x96xf32, #tpu.memory_space<vmem>>, %arg3: memref<8x256x96xf32, #tpu.memory_space<vmem>>, %arg4: memref<8x256xf32, #tpu.memory_space<vmem>>, %arg5: memref<8x256xf32, #tpu.memory_space<vmem>>, %arg6: memref<8x256xf32, #tpu.memory_space<vmem>>, %arg7: memref<1x96xf32, #tpu.memory_space<vmem>>, %arg8: memref<1x96xf32, #tpu.memory_space<vmem>>, %arg9: memref<3x3x96x64xf32, #tpu.memory_space<vmem>>, %arg10: memref<8x256x64xf32, #tpu.memory_space<vmem>>, %arg11: memref<1x1x64xf32, #tpu.memory_space<vmem>>, %arg12: memref<1x1x64xf32, #tpu.memory_space<vmem>>) attributes {dimension_semantics = [#tpu.dimension_semantics<arbitrary>], iteration_bounds = array<i64: 128>, scalar_prefetch = 0 : i64, scratch_operands = 0 : i64, tpu.core_type = #tpu.core_type<tc>, window_params = [{transform_indices = @transform_0, window_bounds = array<i64: 8, 256, 96>}, {transform_indices = @transform_1, window_bounds = array<i64: 8, 256, 96>}, {transform_indices = @transform_2, window_bounds = array<i64: 8, 256, 96>}, {transform_indices = @transform_3, window_bounds = array<i64: 8, 256>}, {transform_indices = @transform_4, window_bounds = array<i64: 8, 256>}, {transform_indices = @transform_5, window_bounds = array<i64: 8, 256>}, {pipeline_mode = #tpu.pipeline_mode<synchronous>, transform_indices = @transform_6, window_bounds = array<i64: 1, 96>}, {pipeline_mode = #tpu.pipeline_mode<synchronous>, transform_indices = @transform_7, window_bounds = array<i64: 1, 96>}, {pipeline_mode = #tpu.pipeline_mode<synchronous>, transform_indices = @transform_8, window_bounds = array<i64: 3, 3, 96, 64>}, {transform_indices = @transform_9, window_bounds = array<i64: 8, 256, 64>}, {transform_indices = @transform_10, window_bounds = array<i64: 1, 1, 64>}, {transform_indices = @transform_11, window_bounds = array<i64: 1, 1, 64>}]} {
    %get3A = arith.constant 0 : index
    %get3A_0 = arith.constant 0 : index
    %get3A_1 = arith.constant 0 : index
    %get3A_2 = vector.load %arg1[%get3A, %get3A_0, %get3A_1] : memref<8x256x96xf32, #tpu.memory_space<vmem>>, vector<8x256x96xf32>
    %get3A_3 = arith.constant 0 : index
    %get3A_4 = arith.constant 0 : index
    %get3A_5 = arith.constant 0 : index
    %get3A_6 = vector.load %arg2[%get3A_3, %get3A_4, %get3A_5] : memref<8x256x96xf32, #tpu.memory_space<vmem>>, vector<8x256x96xf32>
    %get3A_7 = arith.constant 0 : index
    %get3A_8 = arith.constant 0 : index
    %get3A_9 = arith.constant 0 : index
    %get3A_10 = vector.load %arg3[%get3A_7, %get3A_8, %get3A_9] : memref<8x256x96xf32, #tpu.memory_space<vmem>>, vector<8x256x96xf32>
    %concatenate3A = tpu.concatenate %get3A_2, %get3A_6, %get3A_10 in 0 : vector<8x256x96xf32>, vector<8x256x96xf32>, vector<8x256x96xf32> -> vector<24x256x96xf32>
    %get3A_11 = arith.constant 0 : index
    %get3A_12 = arith.constant 0 : index
    %get3A_13 = vector.load %arg4[%get3A_11, %get3A_12] : memref<8x256xf32, #tpu.memory_space<vmem>>, vector<8x256xf32>
    %get3A_14 = arith.constant 0 : index
    %get3A_15 = arith.constant 0 : index
    %get3A_16 = vector.load %arg5[%get3A_14, %get3A_15] : memref<8x256xf32, #tpu.memory_space<vmem>>, vector<8x256xf32>
    %get3A_17 = arith.constant 0 : index
    %get3A_18 = arith.constant 0 : index
    %get3A_19 = vector.load %arg6[%get3A_17, %get3A_18] : memref<8x256xf32, #tpu.memory_space<vmem>>, vector<8x256xf32>
    %concatenate3A_20 = tpu.concatenate %get3A_13, %get3A_16, %get3A_19 in 0 : vector<8x256xf32>, vector<8x256xf32>, vector<8x256xf32> -> vector<24x256xf32>
    %get3A_21 = arith.constant 0 : index
    %get3A_22 = arith.constant 0 : index
    %get3A_23 = vector.load %arg7[%get3A_21, %get3A_22] : memref<1x96xf32, #tpu.memory_space<vmem>>, vector<1x96xf32>
    %reshape3A = vector.shape_cast %get3A_23 : vector<1x96xf32> to vector<1x1x96xf32>
    %get3A_24 = arith.constant 0 : index
    %get3A_25 = arith.constant 0 : index
    %get3A_26 = vector.load %arg8[%get3A_24, %get3A_25] : memref<1x96xf32, #tpu.memory_space<vmem>>, vector<1x96xf32>
    %reshape3A_27 = vector.shape_cast %get3A_26 : vector<1x96xf32> to vector<1x1x96xf32>
    %mul3A = vector.broadcast %reshape3A : vector<1x1x96xf32> to vector<24x256x96xf32>
    %mul3A_28 = arith.mulf %concatenate3A, %mul3A : vector<24x256x96xf32>
    %add3A = vector.broadcast %reshape3A_27 : vector<1x1x96xf32> to vector<24x256x96xf32>
    %add3A_29 = arith.addf %mul3A_28, %add3A : vector<24x256x96xf32>
    %max3A = arith.constant 0.000000e+00 : f32
    %max3A_30 = vector.broadcast %max3A : f32 to vector<24x256x96xf32>
    %max3A_31 = arith.maximumf %add3A_29, %max3A_30 : vector<24x256x96xf32>
    %broadcast_in_dim3A = vector.shape_cast %concatenate3A_20 : vector<24x256xf32> to vector<24x256x1xf32>
    %mul3A_32 = vector.broadcast %broadcast_in_dim3A : vector<24x256x1xf32> to vector<24x256x96xf32>
    %mul3A_33 = arith.mulf %max3A_31, %mul3A_32 : vector<24x256x96xf32>
    %mul3A_34 = arith.constant 8 : i32
    %mul3A_35 = arith.muli %arg0, %mul3A_34 : i32
    %get3A_36 = arith.constant 0 : index
    %get3A_37 = arith.constant 0 : index
    %get3A_38 = vector.load %arg5[%get3A_36, %get3A_37] : memref<8x256xf32, #tpu.memory_space<vmem>>, vector<8x256xf32>
    %get3A_39 = arith.constant 0 : index
    %get3A_40 = arith.constant 0 : index
    %get3A_41 = arith.constant 0 : index
    %get3A_42 = arith.constant 0 : index
    %get3A_43 = vector.load %arg9[%get3A_39, %get3A_40, %get3A_41, %get3A_42] : memref<3x3x96x64xf32, #tpu.memory_space<vmem>>, vector<3x3x96x64xf32>
    %iota3A = tpu.iota {dimensions = array<i32: 0>} : vector<8x1x1xi32>
    %add3A_44 = vector.broadcast %mul3A_35 : i32 to vector<8x1x1xi32>
    %add3A_45 = arith.addi %add3A_44, %iota3A : vector<8x1x1xi32>
    %jit3A = arith.constant 256 : i32
    %eq3A = arith.constant 0 : i32
    %eq3A_46 = arith.cmpi eq, %jit3A, %eq3A : i32
    %jit3A_47 = arith.constant 1 : i32
    %select_n3A = arith.select %eq3A_46, %jit3A_47, %jit3A : i32
    %rem3A = vector.broadcast %select_n3A : i32 to vector<8x1x1xi32>
    %rem3A_48 = arith.remsi %add3A_45, %rem3A : vector<8x1x1xi32>
    %ne3A = arith.constant 0 : i32
    %ne3A_49 = vector.broadcast %ne3A : i32 to vector<8x1x1xi32>
    %ne3A_50 = arith.cmpi ne, %rem3A_48, %ne3A_49 : vector<8x1x1xi32>
    %lt3A = arith.constant 0 : i32
    %lt3A_51 = vector.broadcast %lt3A : i32 to vector<8x1x1xi32>
    %lt3A_52 = arith.cmpi slt, %rem3A_48, %lt3A_51 : vector<8x1x1xi32>
    %lt3A_53 = arith.constant 0 : i32
    %lt3A_54 = arith.cmpi slt, %select_n3A, %lt3A_53 : i32
    %ne3A_55 = vector.broadcast %lt3A_54 : i1 to vector<8x1x1xi1>
    %ne3A_56 = vector.broadcast %ne3A_55 : vector<8x1x1xi1> to vector<8x1x1xi1>
    %ne3A_57 = arith.xori %lt3A_52, %ne3A_56 : vector<8x1x1xi1>
    %and3A = arith.andi %ne3A_57, %ne3A_50 : vector<8x1x1xi1>
    %add3A_58 = vector.broadcast %select_n3A : i32 to vector<8x1x1xi32>
    %add3A_59 = arith.addi %rem3A_48, %add3A_58 : vector<8x1x1xi32>
    %select_n3A_60 = arith.select %and3A, %add3A_59, %rem3A_48 : vector<8x1x1xi1>, vector<8x1x1xi32>
    %broadcast_in_dim3A_61 = arith.constant 0.000000e+00 : f32
    %broadcast_in_dim3A_62 = vector.broadcast %broadcast_in_dim3A_61 : f32 to vector<2048x64xf32>
    %slice3A = vector.extract_strided_slice %mul3A_33 {offsets = [7, 0, 0], sizes = [8, 256, 96], strides = [1, 1, 1]} : vector<24x256x96xf32> to vector<8x256x96xf32>
    %add3A_63 = arith.constant -1 : i32
    %add3A_64 = vector.broadcast %add3A_63 : i32 to vector<8x1x1xi32>
    %add3A_65 = arith.addi %select_n3A_60, %add3A_64 : vector<8x1x1xi32>
    %ge3A = arith.constant 0 : i32
    %ge3A_66 = vector.broadcast %ge3A : i32 to vector<8x1x1xi32>
    %ge3A_67 = arith.cmpi sge, %add3A_65, %ge3A_66 : vector<8x1x1xi32>
    %add3A_68 = arith.constant -1 : i32
    %add3A_69 = vector.broadcast %add3A_68 : i32 to vector<8x1x1xi32>
    %add3A_70 = arith.addi %select_n3A_60, %add3A_69 : vector<8x1x1xi32>
    %lt3A_71 = arith.constant 256 : i32
    %lt3A_72 = vector.broadcast %lt3A_71 : i32 to vector<8x1x1xi32>
    %lt3A_73 = arith.cmpi slt, %add3A_70, %lt3A_72 : vector<8x1x1xi32>
    %and3A_74 = arith.andi %ge3A_67, %lt3A_73 : vector<8x1x1xi1>
    %convert_element_type3A = arith.extui %and3A_74 : vector<8x1x1xi1> to vector<8x1x1xi32>
    %convert_element_type3A_75 = arith.sitofp %convert_element_type3A : vector<8x1x1xi32> to vector<8x1x1xf32>
    %mul3A_76 = vector.broadcast %convert_element_type3A_75 : vector<8x1x1xf32> to vector<8x256x96xf32>
    %mul3A_77 = arith.mulf %slice3A, %mul3A_76 : vector<8x256x96xf32>
    %broadcast_in_dim3A_78 = arith.constant 0.000000e+00 : f32
    %broadcast_in_dim3A_79 = vector.broadcast %broadcast_in_dim3A_78 : f32 to vector<8x1x96xf32>
    %slice3A_80 = vector.extract_strided_slice %mul3A_77 {offsets = [0, 0, 0], sizes = [8, 255, 96], strides = [1, 1, 1]} : vector<8x256x96xf32> to vector<8x255x96xf32>
    %concatenate3A_81 = tpu.concatenate %broadcast_in_dim3A_79, %slice3A_80 in 1 : vector<8x1x96xf32>, vector<8x255x96xf32> -> vector<8x256x96xf32>
    %reshape3A_82 = vector.shape_cast %concatenate3A_81 : vector<8x256x96xf32> to vector<2048x96xf32>
    %slice3A_83 = vector.extract_strided_slice %get3A_43 {offsets = [0, 0, 0, 0], sizes = [1, 1, 96, 64], strides = [1, 1, 1, 1]} : vector<3x3x96x64xf32> to vector<1x1x96x64xf32>
    %squeeze3A = vector.shape_cast %slice3A_83 : vector<1x1x96x64xf32> to vector<96x64xf32>
    %dot_general3A = arith.constant dense<0.000000e+00> : vector<2048x64xf32>
    %dot_general3A_84 = tpu.matmul %reshape3A_82, %squeeze3A, %dot_general3A {dimension_numbers = #tpu.dot_dimension_numbers<[1], [0], [0], [1], [0, 0, 1, 1], [], []>, transpose_lhs_hint = false} : vector<2048x96xf32>, vector<96x64xf32>, vector<2048x64xf32> -> vector<2048x64xf32>
    %add3A_85 = arith.addf %broadcast_in_dim3A_62, %dot_general3A_84 : vector<2048x64xf32>
    %reshape3A_86 = vector.shape_cast %mul3A_77 : vector<8x256x96xf32> to vector<2048x96xf32>
    %slice3A_87 = vector.extract_strided_slice %get3A_43 {offsets = [0, 1, 0, 0], sizes = [1, 1, 96, 64], strides = [1, 1, 1, 1]} : vector<3x3x96x64xf32> to vector<1x1x96x64xf32>
    %squeeze3A_88 = vector.shape_cast %slice3A_87 : vector<1x1x96x64xf32> to vector<96x64xf32>
    %dot_general3A_89 = arith.constant dense<0.000000e+00> : vector<2048x64xf32>
    %dot_general3A_90 = tpu.matmul %reshape3A_86, %squeeze3A_88, %dot_general3A_89 {dimension_numbers = #tpu.dot_dimension_numbers<[1], [0], [0], [1], [0, 0, 1, 1], [], []>, transpose_lhs_hint = false} : vector<2048x96xf32>, vector<96x64xf32>, vector<2048x64xf32> -> vector<2048x64xf32>
    %add3A_91 = arith.addf %add3A_85, %dot_general3A_90 : vector<2048x64xf32>
    %slice3A_92 = vector.extract_strided_slice %mul3A_77 {offsets = [0, 1, 0], sizes = [8, 255, 96], strides = [1, 1, 1]} : vector<8x256x96xf32> to vector<8x255x96xf32>
    %broadcast_in_dim3A_93 = arith.constant 0.000000e+00 : f32
    %broadcast_in_dim3A_94 = vector.broadcast %broadcast_in_dim3A_93 : f32 to vector<8x1x96xf32>
    %concatenate3A_95 = tpu.concatenate %slice3A_92, %broadcast_in_dim3A_94 in 1 : vector<8x255x96xf32>, vector<8x1x96xf32> -> vector<8x256x96xf32>
    %reshape3A_96 = vector.shape_cast %concatenate3A_95 : vector<8x256x96xf32> to vector<2048x96xf32>
    %slice3A_97 = vector.extract_strided_slice %get3A_43 {offsets = [0, 2, 0, 0], sizes = [1, 1, 96, 64], strides = [1, 1, 1, 1]} : vector<3x3x96x64xf32> to vector<1x1x96x64xf32>
    %squeeze3A_98 = vector.shape_cast %slice3A_97 : vector<1x1x96x64xf32> to vector<96x64xf32>
    %dot_general3A_99 = arith.constant dense<0.000000e+00> : vector<2048x64xf32>
    %dot_general3A_100 = tpu.matmul %reshape3A_96, %squeeze3A_98, %dot_general3A_99 {dimension_numbers = #tpu.dot_dimension_numbers<[1], [0], [0], [1], [0, 0, 1, 1], [], []>, transpose_lhs_hint = false} : vector<2048x96xf32>, vector<96x64xf32>, vector<2048x64xf32> -> vector<2048x64xf32>
    %add3A_101 = arith.addf %add3A_91, %dot_general3A_100 : vector<2048x64xf32>
    %slice3A_102 = vector.extract_strided_slice %mul3A_33 {offsets = [8, 0, 0], sizes = [8, 256, 96], strides = [1, 1, 1]} : vector<24x256x96xf32> to vector<8x256x96xf32>
    %add3A_103 = arith.constant 0 : i32
    %add3A_104 = vector.broadcast %add3A_103 : i32 to vector<8x1x1xi32>
    %add3A_105 = arith.addi %select_n3A_60, %add3A_104 : vector<8x1x1xi32>
    %ge3A_106 = arith.constant 0 : i32
    %ge3A_107 = vector.broadcast %ge3A_106 : i32 to vector<8x1x1xi32>
    %ge3A_108 = arith.cmpi sge, %add3A_105, %ge3A_107 : vector<8x1x1xi32>
    %add3A_109 = arith.constant 0 : i32
    %add3A_110 = vector.broadcast %add3A_109 : i32 to vector<8x1x1xi32>
    %add3A_111 = arith.addi %select_n3A_60, %add3A_110 : vector<8x1x1xi32>
    %lt3A_112 = arith.constant 256 : i32
    %lt3A_113 = vector.broadcast %lt3A_112 : i32 to vector<8x1x1xi32>
    %lt3A_114 = arith.cmpi slt, %add3A_111, %lt3A_113 : vector<8x1x1xi32>
    %and3A_115 = arith.andi %ge3A_108, %lt3A_114 : vector<8x1x1xi1>
    %convert_element_type3A_116 = arith.extui %and3A_115 : vector<8x1x1xi1> to vector<8x1x1xi32>
    %convert_element_type3A_117 = arith.sitofp %convert_element_type3A_116 : vector<8x1x1xi32> to vector<8x1x1xf32>
    %mul3A_118 = vector.broadcast %convert_element_type3A_117 : vector<8x1x1xf32> to vector<8x256x96xf32>
    %mul3A_119 = arith.mulf %slice3A_102, %mul3A_118 : vector<8x256x96xf32>
    %broadcast_in_dim3A_120 = arith.constant 0.000000e+00 : f32
    %broadcast_in_dim3A_121 = vector.broadcast %broadcast_in_dim3A_120 : f32 to vector<8x1x96xf32>
    %slice3A_122 = vector.extract_strided_slice %mul3A_119 {offsets = [0, 0, 0], sizes = [8, 255, 96], strides = [1, 1, 1]} : vector<8x256x96xf32> to vector<8x255x96xf32>
    %concatenate3A_123 = tpu.concatenate %broadcast_in_dim3A_121, %slice3A_122 in 1 : vector<8x1x96xf32>, vector<8x255x96xf32> -> vector<8x256x96xf32>
    %reshape3A_124 = vector.shape_cast %concatenate3A_123 : vector<8x256x96xf32> to vector<2048x96xf32>
    %slice3A_125 = vector.extract_strided_slice %get3A_43 {offsets = [1, 0, 0, 0], sizes = [1, 1, 96, 64], strides = [1, 1, 1, 1]} : vector<3x3x96x64xf32> to vector<1x1x96x64xf32>
    %squeeze3A_126 = vector.shape_cast %slice3A_125 : vector<1x1x96x64xf32> to vector<96x64xf32>
    %dot_general3A_127 = arith.constant dense<0.000000e+00> : vector<2048x64xf32>
    %dot_general3A_128 = tpu.matmul %reshape3A_124, %squeeze3A_126, %dot_general3A_127 {dimension_numbers = #tpu.dot_dimension_numbers<[1], [0], [0], [1], [0, 0, 1, 1], [], []>, transpose_lhs_hint = false} : vector<2048x96xf32>, vector<96x64xf32>, vector<2048x64xf32> -> vector<2048x64xf32>
    %add3A_129 = arith.addf %add3A_101, %dot_general3A_128 : vector<2048x64xf32>
    %reshape3A_130 = vector.shape_cast %mul3A_119 : vector<8x256x96xf32> to vector<2048x96xf32>
    %slice3A_131 = vector.extract_strided_slice %get3A_43 {offsets = [1, 1, 0, 0], sizes = [1, 1, 96, 64], strides = [1, 1, 1, 1]} : vector<3x3x96x64xf32> to vector<1x1x96x64xf32>
    %squeeze3A_132 = vector.shape_cast %slice3A_131 : vector<1x1x96x64xf32> to vector<96x64xf32>
    %dot_general3A_133 = arith.constant dense<0.000000e+00> : vector<2048x64xf32>
    %dot_general3A_134 = tpu.matmul %reshape3A_130, %squeeze3A_132, %dot_general3A_133 {dimension_numbers = #tpu.dot_dimension_numbers<[1], [0], [0], [1], [0, 0, 1, 1], [], []>, transpose_lhs_hint = false} : vector<2048x96xf32>, vector<96x64xf32>, vector<2048x64xf32> -> vector<2048x64xf32>
    %add3A_135 = arith.addf %add3A_129, %dot_general3A_134 : vector<2048x64xf32>
    %slice3A_136 = vector.extract_strided_slice %mul3A_119 {offsets = [0, 1, 0], sizes = [8, 255, 96], strides = [1, 1, 1]} : vector<8x256x96xf32> to vector<8x255x96xf32>
    %broadcast_in_dim3A_137 = arith.constant 0.000000e+00 : f32
    %broadcast_in_dim3A_138 = vector.broadcast %broadcast_in_dim3A_137 : f32 to vector<8x1x96xf32>
    %concatenate3A_139 = tpu.concatenate %slice3A_136, %broadcast_in_dim3A_138 in 1 : vector<8x255x96xf32>, vector<8x1x96xf32> -> vector<8x256x96xf32>
    %reshape3A_140 = vector.shape_cast %concatenate3A_139 : vector<8x256x96xf32> to vector<2048x96xf32>
    %slice3A_141 = vector.extract_strided_slice %get3A_43 {offsets = [1, 2, 0, 0], sizes = [1, 1, 96, 64], strides = [1, 1, 1, 1]} : vector<3x3x96x64xf32> to vector<1x1x96x64xf32>
    %squeeze3A_142 = vector.shape_cast %slice3A_141 : vector<1x1x96x64xf32> to vector<96x64xf32>
    %dot_general3A_143 = arith.constant dense<0.000000e+00> : vector<2048x64xf32>
    %dot_general3A_144 = tpu.matmul %reshape3A_140, %squeeze3A_142, %dot_general3A_143 {dimension_numbers = #tpu.dot_dimension_numbers<[1], [0], [0], [1], [0, 0, 1, 1], [], []>, transpose_lhs_hint = false} : vector<2048x96xf32>, vector<96x64xf32>, vector<2048x64xf32> -> vector<2048x64xf32>
    %add3A_145 = arith.addf %add3A_135, %dot_general3A_144 : vector<2048x64xf32>
    %slice3A_146 = vector.extract_strided_slice %mul3A_33 {offsets = [9, 0, 0], sizes = [8, 256, 96], strides = [1, 1, 1]} : vector<24x256x96xf32> to vector<8x256x96xf32>
    %add3A_147 = arith.constant 1 : i32
    %add3A_148 = vector.broadcast %add3A_147 : i32 to vector<8x1x1xi32>
    %add3A_149 = arith.addi %select_n3A_60, %add3A_148 : vector<8x1x1xi32>
    %ge3A_150 = arith.constant 0 : i32
    %ge3A_151 = vector.broadcast %ge3A_150 : i32 to vector<8x1x1xi32>
    %ge3A_152 = arith.cmpi sge, %add3A_149, %ge3A_151 : vector<8x1x1xi32>
    %add3A_153 = arith.constant 1 : i32
    %add3A_154 = vector.broadcast %add3A_153 : i32 to vector<8x1x1xi32>
    %add3A_155 = arith.addi %select_n3A_60, %add3A_154 : vector<8x1x1xi32>
    %lt3A_156 = arith.constant 256 : i32
    %lt3A_157 = vector.broadcast %lt3A_156 : i32 to vector<8x1x1xi32>
    %lt3A_158 = arith.cmpi slt, %add3A_155, %lt3A_157 : vector<8x1x1xi32>
    %and3A_159 = arith.andi %ge3A_152, %lt3A_158 : vector<8x1x1xi1>
    %convert_element_type3A_160 = arith.extui %and3A_159 : vector<8x1x1xi1> to vector<8x1x1xi32>
    %convert_element_type3A_161 = arith.sitofp %convert_element_type3A_160 : vector<8x1x1xi32> to vector<8x1x1xf32>
    %mul3A_162 = vector.broadcast %convert_element_type3A_161 : vector<8x1x1xf32> to vector<8x256x96xf32>
    %mul3A_163 = arith.mulf %slice3A_146, %mul3A_162 : vector<8x256x96xf32>
    %broadcast_in_dim3A_164 = arith.constant 0.000000e+00 : f32
    %broadcast_in_dim3A_165 = vector.broadcast %broadcast_in_dim3A_164 : f32 to vector<8x1x96xf32>
    %slice3A_166 = vector.extract_strided_slice %mul3A_163 {offsets = [0, 0, 0], sizes = [8, 255, 96], strides = [1, 1, 1]} : vector<8x256x96xf32> to vector<8x255x96xf32>
    %concatenate3A_167 = tpu.concatenate %broadcast_in_dim3A_165, %slice3A_166 in 1 : vector<8x1x96xf32>, vector<8x255x96xf32> -> vector<8x256x96xf32>
    %reshape3A_168 = vector.shape_cast %concatenate3A_167 : vector<8x256x96xf32> to vector<2048x96xf32>
    %slice3A_169 = vector.extract_strided_slice %get3A_43 {offsets = [2, 0, 0, 0], sizes = [1, 1, 96, 64], strides = [1, 1, 1, 1]} : vector<3x3x96x64xf32> to vector<1x1x96x64xf32>
    %squeeze3A_170 = vector.shape_cast %slice3A_169 : vector<1x1x96x64xf32> to vector<96x64xf32>
    %dot_general3A_171 = arith.constant dense<0.000000e+00> : vector<2048x64xf32>
    %dot_general3A_172 = tpu.matmul %reshape3A_168, %squeeze3A_170, %dot_general3A_171 {dimension_numbers = #tpu.dot_dimension_numbers<[1], [0], [0], [1], [0, 0, 1, 1], [], []>, transpose_lhs_hint = false} : vector<2048x96xf32>, vector<96x64xf32>, vector<2048x64xf32> -> vector<2048x64xf32>
    %add3A_173 = arith.addf %add3A_145, %dot_general3A_172 : vector<2048x64xf32>
    %reshape3A_174 = vector.shape_cast %mul3A_163 : vector<8x256x96xf32> to vector<2048x96xf32>
    %slice3A_175 = vector.extract_strided_slice %get3A_43 {offsets = [2, 1, 0, 0], sizes = [1, 1, 96, 64], strides = [1, 1, 1, 1]} : vector<3x3x96x64xf32> to vector<1x1x96x64xf32>
    %squeeze3A_176 = vector.shape_cast %slice3A_175 : vector<1x1x96x64xf32> to vector<96x64xf32>
    %dot_general3A_177 = arith.constant dense<0.000000e+00> : vector<2048x64xf32>
    %dot_general3A_178 = tpu.matmul %reshape3A_174, %squeeze3A_176, %dot_general3A_177 {dimension_numbers = #tpu.dot_dimension_numbers<[1], [0], [0], [1], [0, 0, 1, 1], [], []>, transpose_lhs_hint = false} : vector<2048x96xf32>, vector<96x64xf32>, vector<2048x64xf32> -> vector<2048x64xf32>
    %add3A_179 = arith.addf %add3A_173, %dot_general3A_178 : vector<2048x64xf32>
    %slice3A_180 = vector.extract_strided_slice %mul3A_163 {offsets = [0, 1, 0], sizes = [8, 255, 96], strides = [1, 1, 1]} : vector<8x256x96xf32> to vector<8x255x96xf32>
    %broadcast_in_dim3A_181 = arith.constant 0.000000e+00 : f32
    %broadcast_in_dim3A_182 = vector.broadcast %broadcast_in_dim3A_181 : f32 to vector<8x1x96xf32>
    %concatenate3A_183 = tpu.concatenate %slice3A_180, %broadcast_in_dim3A_182 in 1 : vector<8x255x96xf32>, vector<8x1x96xf32> -> vector<8x256x96xf32>
    %reshape3A_184 = vector.shape_cast %concatenate3A_183 : vector<8x256x96xf32> to vector<2048x96xf32>
    %slice3A_185 = vector.extract_strided_slice %get3A_43 {offsets = [2, 2, 0, 0], sizes = [1, 1, 96, 64], strides = [1, 1, 1, 1]} : vector<3x3x96x64xf32> to vector<1x1x96x64xf32>
    %squeeze3A_186 = vector.shape_cast %slice3A_185 : vector<1x1x96x64xf32> to vector<96x64xf32>
    %dot_general3A_187 = arith.constant dense<0.000000e+00> : vector<2048x64xf32>
    %dot_general3A_188 = tpu.matmul %reshape3A_184, %squeeze3A_186, %dot_general3A_187 {dimension_numbers = #tpu.dot_dimension_numbers<[1], [0], [0], [1], [0, 0, 1, 1], [], []>, transpose_lhs_hint = false} : vector<2048x96xf32>, vector<96x64xf32>, vector<2048x64xf32> -> vector<2048x64xf32>
    %add3A_189 = arith.addf %add3A_179, %dot_general3A_188 : vector<2048x64xf32>
    %reshape3A_190 = vector.shape_cast %add3A_189 : vector<2048x64xf32> to vector<8x256x64xf32>
    %broadcast_in_dim3A_191 = vector.shape_cast %get3A_38 : vector<8x256xf32> to vector<8x256x1xf32>
    %mul3A_192 = vector.broadcast %broadcast_in_dim3A_191 : vector<8x256x1xf32> to vector<8x256x64xf32>
    %mul3A_193 = arith.mulf %reshape3A_190, %mul3A_192 : vector<8x256x64xf32>
    %reduce_sum3A = arith.constant dense<0.000000e+00> : vector<64xf32>
    %reduce_sum3A_194 = vector.multi_reduction <add>, %mul3A_193, %reduce_sum3A [0, 1] : vector<8x256x64xf32> to vector<64xf32>
    %mul3A_195 = arith.mulf %mul3A_193, %mul3A_193 : vector<8x256x64xf32>
    %reduce_sum3A_196 = arith.constant dense<0.000000e+00> : vector<64xf32>
    %reduce_sum3A_197 = vector.multi_reduction <add>, %mul3A_195, %reduce_sum3A_196 [0, 1] : vector<8x256x64xf32> to vector<64xf32>
    %swap3A = arith.constant 0 : index
    %swap3A_198 = arith.constant 0 : index
    %swap3A_199 = arith.constant 0 : index
    %swap3A_200 = vector.load %arg10[%swap3A, %swap3A_198, %swap3A_199] : memref<8x256x64xf32, #tpu.memory_space<vmem>>, vector<8x256x64xf32>
    tpu.vector_store %arg10[%swap3A, %swap3A_198, %swap3A_199], %mul3A_193 {strides = array<i32>} : memref<8x256x64xf32, #tpu.memory_space<vmem>>, vector<8x256x64xf32>,
    %reshape3A_201 = vector.shape_cast %reduce_sum3A_194 : vector<64xf32> to vector<1x1x64xf32>
    %swap3A_202 = arith.constant 0 : index
    %swap3A_203 = arith.constant 0 : index
    %swap3A_204 = arith.constant 0 : index
    %swap3A_205 = vector.load %arg11[%swap3A_202, %swap3A_203, %swap3A_204] : memref<1x1x64xf32, #tpu.memory_space<vmem>>, vector<1x1x64xf32>
    tpu.vector_store %arg11[%swap3A_202, %swap3A_203, %swap3A_204], %reshape3A_201 {strides = array<i32>} : memref<1x1x64xf32, #tpu.memory_space<vmem>>, vector<1x1x64xf32>,
    %reshape3A_206 = vector.shape_cast %reduce_sum3A_197 : vector<64xf32> to vector<1x1x64xf32>
    %swap3A_207 = arith.constant 0 : index
    %swap3A_208 = arith.constant 0 : index
    %swap3A_209 = arith.constant 0 : index
    %swap3A_210 = vector.load %arg12[%swap3A_207, %swap3A_208, %swap3A_209] : memref<1x1x64xf32, #tpu.memory_space<vmem>>, vector<1x1x64xf32>
    tpu.vector_store %arg12[%swap3A_207, %swap3A_208, %swap3A_209], %reshape3A_206 {strides = array<i32>} : memref<1x1x64xf32, #tpu.memory_space<vmem>>, vector<1x1x64xf32>,
    return
  }
  func.func @transform_0(%arg0: i32) -> (i32, i32, i32) {
    %c0_i32 = arith.constant 0 : i32
    %c0_i32_0 = arith.constant 0 : i32
    %c0_i32_1 = arith.constant 0 : i32
    return %arg0, %c0_i32, %c0_i32_0 : i32, i32, i32
  }
  func.func @transform_1(%arg0: i32) -> (i32, i32, i32) {
    %add3A = arith.constant 1 : i32
    %add3A_0 = arith.addi %arg0, %add3A : i32
    %c0_i32 = arith.constant 0 : i32
    %c0_i32_1 = arith.constant 0 : i32
    %c0_i32_2 = arith.constant 0 : i32
    return %add3A_0, %c0_i32, %c0_i32_1 : i32, i32, i32
  }
  func.func @transform_2(%arg0: i32) -> (i32, i32, i32) {
    %add3A = arith.constant 2 : i32
    %add3A_0 = arith.addi %arg0, %add3A : i32
    %c0_i32 = arith.constant 0 : i32
    %c0_i32_1 = arith.constant 0 : i32
    %c0_i32_2 = arith.constant 0 : i32
    return %add3A_0, %c0_i32, %c0_i32_1 : i32, i32, i32
  }
  func.func @transform_3(%arg0: i32) -> (i32, i32) {
    %c0_i32 = arith.constant 0 : i32
    %c0_i32_0 = arith.constant 0 : i32
    return %arg0, %c0_i32 : i32, i32
  }
  func.func @transform_4(%arg0: i32) -> (i32, i32) {
    %add3A = arith.constant 1 : i32
    %add3A_0 = arith.addi %arg0, %add3A : i32
    %c0_i32 = arith.constant 0 : i32
    %c0_i32_1 = arith.constant 0 : i32
    return %add3A_0, %c0_i32 : i32, i32
  }
  func.func @transform_5(%arg0: i32) -> (i32, i32) {
    %add3A = arith.constant 2 : i32
    %add3A_0 = arith.addi %arg0, %add3A : i32
    %c0_i32 = arith.constant 0 : i32
    %c0_i32_1 = arith.constant 0 : i32
    return %add3A_0, %c0_i32 : i32, i32
  }
  func.func @transform_6(%arg0: i32) -> (i32, i32) {
    %c0_i32 = arith.constant 0 : i32
    %c0_i32_0 = arith.constant 0 : i32
    %c0_i32_1 = arith.constant 0 : i32
    return %c0_i32, %c0_i32_0 : i32, i32
  }
  func.func @transform_7(%arg0: i32) -> (i32, i32) {
    %c0_i32 = arith.constant 0 : i32
    %c0_i32_0 = arith.constant 0 : i32
    %c0_i32_1 = arith.constant 0 : i32
    return %c0_i32, %c0_i32_0 : i32, i32
  }
  func.func @transform_8(%arg0: i32) -> (i32, i32, i32, i32) {
    %c0_i32 = arith.constant 0 : i32
    %c0_i32_0 = arith.constant 0 : i32
    %c0_i32_1 = arith.constant 0 : i32
    %c0_i32_2 = arith.constant 0 : i32
    %c0_i32_3 = arith.constant 0 : i32
    return %c0_i32, %c0_i32_0, %c0_i32_1, %c0_i32_2 : i32, i32, i32, i32
  }
  func.func @transform_9(%arg0: i32) -> (i32, i32, i32) {
    %c0_i32 = arith.constant 0 : i32
    %c0_i32_0 = arith.constant 0 : i32
    %c0_i32_1 = arith.constant 0 : i32
    return %arg0, %c0_i32, %c0_i32_0 : i32, i32, i32
  }
  func.func @transform_10(%arg0: i32) -> (i32, i32, i32) {
    %c0_i32 = arith.constant 0 : i32
    %c0_i32_0 = arith.constant 0 : i32
    %c0_i32_1 = arith.constant 0 : i32
    return %arg0, %c0_i32, %c0_i32_0 : i32, i32, i32
  }
  func.func @transform_11(%arg0: i32) -> (i32, i32, i32) {
    %c0_i32 = arith.constant 0 : i32
    %c0_i32_0 = arith.constant 0 : i32
    %c0_i32_1 = arith.constant 0 : i32
    return %arg0, %c0_i32, %c0_i32_0 : i32, i32, i32
  }
}

module attributes {stable_mosaic.version = 14 : i64} {
  func.func @_k3(%arg0: i32, %arg1: memref<2048x64xf32, #tpu.memory_space<vmem>>, %arg2: memref<1x64xf32, #tpu.memory_space<vmem>>, %arg3: memref<1x64xf32, #tpu.memory_space<vmem>>, %arg4: memref<2048x64xf32, #tpu.memory_space<vmem>>) attributes {dimension_semantics = [#tpu.dimension_semantics<arbitrary>], iteration_bounds = array<i64: 49>, scalar_prefetch = 0 : i64, scratch_operands = 0 : i64, tpu.core_type = #tpu.core_type<tc>, window_params = [{transform_indices = @transform_0, window_bounds = array<i64: 2048, 64>}, {pipeline_mode = #tpu.pipeline_mode<synchronous>, transform_indices = @transform_1, window_bounds = array<i64: 1, 64>}, {pipeline_mode = #tpu.pipeline_mode<synchronous>, transform_indices = @transform_2, window_bounds = array<i64: 1, 64>}, {transform_indices = @transform_3, window_bounds = array<i64: 2048, 64>}]} {
    %get3A = arith.constant 0 : index
    %get3A_0 = arith.constant 0 : index
    %get3A_1 = vector.load %arg1[%get3A, %get3A_0] : memref<2048x64xf32, #tpu.memory_space<vmem>>, vector<2048x64xf32>
    %get3A_2 = arith.constant 0 : index
    %get3A_3 = arith.constant 0 : index
    %get3A_4 = vector.load %arg2[%get3A_2, %get3A_3] : memref<1x64xf32, #tpu.memory_space<vmem>>, vector<1x64xf32>
    %mul3A = vector.broadcast %get3A_4 : vector<1x64xf32> to vector<2048x64xf32>
    %mul3A_5 = arith.mulf %get3A_1, %mul3A : vector<2048x64xf32>
    %get3A_6 = arith.constant 0 : index
    %get3A_7 = arith.constant 0 : index
    %get3A_8 = vector.load %arg3[%get3A_6, %get3A_7] : memref<1x64xf32, #tpu.memory_space<vmem>>, vector<1x64xf32>
    %add3A = vector.broadcast %get3A_8 : vector<1x64xf32> to vector<2048x64xf32>
    %add3A_9 = arith.addf %mul3A_5, %add3A : vector<2048x64xf32>
    %max3A = arith.constant 0.000000e+00 : f32
    %max3A_10 = vector.broadcast %max3A : f32 to vector<2048x64xf32>
    %max3A_11 = arith.maximumf %add3A_9, %max3A_10 : vector<2048x64xf32>
    %swap3A = arith.constant 0 : index
    %swap3A_12 = arith.constant 0 : index
    %swap3A_13 = vector.load %arg4[%swap3A, %swap3A_12] : memref<2048x64xf32, #tpu.memory_space<vmem>>, vector<2048x64xf32>
    tpu.vector_store %arg4[%swap3A, %swap3A_12], %max3A_11 {strides = array<i32>} : memref<2048x64xf32, #tpu.memory_space<vmem>>, vector<2048x64xf32>,
    return
  }
  func.func @transform_0(%arg0: i32) -> (i32, i32) {
    %c0_i32 = arith.constant 0 : i32
    %c0_i32_0 = arith.constant 0 : i32
    return %arg0, %c0_i32 : i32, i32
  }
  func.func @transform_1(%arg0: i32) -> (i32, i32) {
    %c0_i32 = arith.constant 0 : i32
    %c0_i32_0 = arith.constant 0 : i32
    %c0_i32_1 = arith.constant 0 : i32
    return %c0_i32, %c0_i32_0 : i32, i32
  }
  func.func @transform_2(%arg0: i32) -> (i32, i32) {
    %c0_i32 = arith.constant 0 : i32
    %c0_i32_0 = arith.constant 0 : i32
    %c0_i32_1 = arith.constant 0 : i32
    return %c0_i32, %c0_i32_0 : i32, i32
  }
  func.func @transform_3(%arg0: i32) -> (i32, i32) {
    %c0_i32 = arith.constant 0 : i32
    %c0_i32_0 = arith.constant 0 : i32
    return %arg0, %c0_i32 : i32, i32
  }
}

</mosaic_0001>

<sc_bundles>
// kernel: gather_offload_async_start
scs
__scs_entry_jumppad:
0x0: {  	(pc) =	sbr.rel $0x88, $3  }
0x1: {  	(tag) =	ssettag $0x0;
	lr =	simm.s32 $0x1  }
0x2: {  	[smem:$0x3F97] =	sst lr;
	_ =	strace $0xD0000000  }
0x3: {  	_ = 	snop  }
0x4: {  	_ = 	snop  }
0x5: {  	_ = 	snop  }
0x6: {  	_ = 	snop  }
0x7: {  	_ = 	snop  }
__scs_overlays_trampoline_lowered:
0x8: {  	[smem:$0x3FA6] =	sst s0  }
0x9: {  	[smem:$0x3FA7] =	sst s1  }
0xa: {  	[smem:$0x3FA8] =	sst s2  }
0xb: {  	[smem:$0x3FA9] =	sst s3  }
0xc: {  	[smem:$0x3FAA] =	sst s4  }
0xd: {  	[smem:$0x3FAB] =	sst s5  }
0xe: {  	[smem:$0x3FAC] =	sst s6  }
0xf: {  	[smem:$0x3FAD] =	sst s7  }
0x10: {  	[smem:$0x3FAE] =	sst s8  }
0x11: {  	[smem:$0x3FAF] =	sst s9;
	s0 =	simm.s32 @!p0 $0x0  }
0x12: {  	s1 =	sld [smem:$0x3F95];
	s0 =	simm.s32 @p0 $0x1  }
0x13: {  	[smem:$0x3FB0] =	sst s0;
	s0 =	simm.s32 @!p1 $0x0  }
0x14: {  	s2 =	sld [smem:$0x3F94];
	s0 =	simm.s32 @p1 $0x1  }
0x15: {  	[smem:$0x3FB1] =	sst s0;
	s0 =	simm.s32 @!p2 $0x0  }
0x16: {  	s3 =	sld [smem:$0x3FDB];
	s0 =	simm.s32 @p2 $0x1  }
0x17: {  	s4 =	simm.s32 $0x1BF5;
	[smem:$0x3FB3] =	sst s0  }
0x18: {  	s0 =	sld [smem:$0x3F96];
	_ =	swait.ge [sflag:s4], $0x0  }
0x19: {  	s7 =	sld [smem:$0x3F97]  }
0x1a: {  	s8 =	sadd.s32 $0xFFFFE003, lr  }
0x1b: {  	s9 =	sadd.s32 $0xFFFFFEF7, lr;
	s5 =	simm.s32 $0xFFFFFFFF;
	p2 =	slt.u32 s8, $0xFFFFF086  }
0x1c: {  	p1 =	slt.u32 s9, $0xF7A;
	s5 =	simm.s32 @!p2 $0x0  }
0x1d: {  	s5 =	simm.s32 @p1 $0x1;
	p0 =	seq.s32 s7, s2  }
0x1e: {  	s7 =	smul.u32 @!p0 $0xF7A, s2;
	p2 =	seq.s32 @!p0 s5, $0x0  }
0x1f: {  	s9 =	smul.u32 $0xF7A, s1;
	s8 =	simm.s32 @!p0 $0x1BF5;
	p2 =	por !p2, p0  }
0x20: {  	[sflag:s8] =	ssyncset.s32 @!p0 $0xFFFFF086;
	s6 =	sadd.s32 @!p0 s3, s7;
	s7 =	simm.s32 @!p0 $0x108  }
0x21: {  	s3 =	sadd.s32 s3, s9;
	s6 =	sadd.s32 @!p0 $0x88, s6;
	s7 =	simm.s32 @p2 $0x1082  }
0x22: {  	[simem:s7], [sflag:s8] =	dma.local @!p0 [hbm:s6], $0xF7A  }
0x23: {  	s9 =	sor.u32 $0xD0000000, s2;
	s6 =	simm.s32 $0x108;
	_ =	swait.ge @!p0 [sflag:s8], $0x0  }
0x24: {  	s3 =	sadd.s32 $0x88, s3;
	s6 =	simm.s32 @!p1 $0x1082;
	[sflag:s4] =	ssyncset.s32 $0xFFFFF086  }
0x25: {  	[simem:s6], [sflag:s4] =	dma.local [hbm:s3], $0xF7A  }
0x26: {  	[smem:$0x3F97] =	sst s1;
	(tag) =	ssettag s2;
	_ =	strace s9  }
0x27: {  	s1 =	sld [smem:$0x3FA7]  }
0x28: {  	s2 =	sld [smem:$0x3FA8]  }
0x29: {  	s4 =	sld [smem:$0x3FAA]  }
0x2a: {  	p0 =	seq.s32 s5, $0x0;
	s5 =	sld [smem:$0x3FAB]  }
0x2b: {  	s6 =	sld [smem:$0x3FAC]  }
0x2c: {  	s7 =	sld [smem:$0x3FAD]  }
0x2d: {  	s3 =	simm.s32 $0x108;
	s8 =	sld [smem:$0x3FAE]  }
0x2e: {  	s3 =	simm.s32 @!p0 $0x1082;
	s9 =	sld [smem:$0x3FAF]  }
0x2f: {  	lr =	sadd.s32 s0, s3;
	s0 =	sld [smem:$0x3FA6]  }
0x30: {  	s3 =	sld [smem:$0x3FA9]  }
0x31: {  	[smem:$0x3FB2] =	sst s10  }
0x32: {  	s10 =	sld [smem:$0x3FB0];
	_ =	sdelay $0x3  }
0x33: {  	p0 =	seq.s32 s10, $0x1;
	s10 =	sld [smem:$0x3FB2];
	_ =	sdelay $0x3  }
0x34: {  	[smem:$0x3FB2] =	sst s10  }
0x35: {  	s10 =	sld [smem:$0x3FB1];
	_ =	sdelay $0x3  }
0x36: {  	p1 =	seq.s32 s10, $0x1;
	s10 =	sld [smem:$0x3FB2];
	_ =	sdelay $0x3  }
0x37: {  	[smem:$0x3FB2] =	sst s10  }
0x38: {  	s10 =	sld [smem:$0x3FB3]  }
0x39: {  	_ = 	snop;
	(pc) =	sbr.ind lr, $3  }
0x3a: {  	_ = 	snop  }
0x3b: {  	_ = 	snop  }
0x3c: {  	p2 =	seq.s32 s10, $0x1;
	s10 =	sld [smem:$0x3FB2]  }
0x3d: {  	_ =	shalt  }
0x3e: {  	_ =	shalt  }
0x3f: {  	_ =	shalt  }
0x40: {  	_ =	shalt  }
0x41: {  	_ =	shalt  }
0x42: {  	_ =	shalt  }
0x43: {  	_ =	shalt  }
0x44: {  	_ =	shalt  }
0x45: {  	_ =	shalt  }
0x46: {  	_ =	shalt  }
0x47: {  	_ =	shalt  }
0x48: {  	_ =	shalt  }
0x49: {  	_ =	shalt  }
0x4a: {  	_ =	shalt  }
0x4b: {  	_ =	shalt  }
0x4c: {  	_ =	shalt  }
0x4d: {  	_ =	shalt  }
0x4e: {  	_ =	shalt  }
0x4f: {  	_ =	shalt  }
0x50: {  	_ =	shalt  }
0x51: {  	_ =	shalt  }
0x52: {  	_ =	shalt  }
0x53: {  	_ =	shalt  }
0x54: {  	_ =	shalt  }
0x55: {  	_ =	shalt  }
0x56: {  	_ =	shalt  }
0x57: {  	_ =	shalt  }
0x58: {  	_ =	shalt  }
0x59: {  	_ =	shalt  }
0x5a: {  	_ =	shalt  }
0x5b: {  	_ =	shalt  }
0x5c: {  	_ =	shalt  }
0x5d: {  	_ =	shalt  }
0x5e: {  	_ =	shalt  }
0x5f: {  	_ =	shalt  }
0x60: {  	_ =	shalt  }
0x61: {  	_ =	shalt  }
0x62: {  	_ =	shalt  }
0x63: {  	_ =	shalt  }
0x64: {  	_ =	shalt  }
0x65: {  	_ =	shalt  }
0x66: {  	_ =	shalt  }
0x67: {  	_ =	shalt  }
0x68: {  	_ =	shalt  }
0x69: {  	_ =	shalt  }
0x6a: {  	_ =	shalt  }
0x6b: {  	_ =	shalt  }
0x6c: {  	_ =	shalt  }
0x6d: {  	_ =	shalt  }
0x6e: {  	_ =	shalt  }
0x6f: {  	_ =	shalt  }
0x70: {  	_ =	shalt  }
0x71: {  	_ =	shalt  }
0x72: {  	_ =	shalt  }
0x73: {  	_ =	shalt  }
0x74: {  	_ =	shalt  }
0x75: {  	_ =	shalt  }
0x76: {  	_ =	shalt  }
0x77: {  	_ =	shalt  }
0x78: {  	_ =	shalt  }
0x79: {  	_ =	shalt  }
0x7a: {  	_ =	shalt  }
0x7b: {  	_ =	shalt  }
0x7c: {  	_ =	shalt  }
0x7d: {  	_ =	shalt  }
0x7e: {  	_ =	shalt  }
0x7f: {  	_ =	shalt  }
0x80: {  	_ =	shalt  }
0x81: {  	_ =	shalt  }
0x82: {  	_ =	shalt  }
0x83: {  	_ =	shalt  }
0x84: {  	_ =	shalt  }
0x85: {  	_ =	shalt  }
0x86: {  	_ =	shalt  }
0x87: {  	_ =	shalt  }
.Lfunc_end0:
.L_simem_size_0:
called_computation.2_lowered:
.L_overlay_start_0:
0x88: {  	s2 =	sld [smem:$0x3FD9]  }
0x89: {  	s3 =	sld [smem:$0x3FFE];
	_ =	sdelay $0x1  }
0x8a: {  	s1 =	srdreg.scid  }
0x8b: {  	s0 =	sand.u32 $0x1, s1  }
0x8c: {  	s16 =	sshll.u32 s0, $0xA;
	s2 =	sadd.s32 s3, s2  }
0x8d: {  	s2 =	sadd.s32 s2, s16  }
0x8e: {  	[smem:$0x3FBE] =	sst s2  }
0x8f: {  	_ = 	snop  }
0x90: {  	(tm) =	ssettm $0x1  }
0x91: {  	s17 =	sld [smem:$0x3FFB];
	_ =	sdelay $0x3  }
0x92: {  	_ =	strace s17  }
0x93: {  	s2 =	sld [smem:$0x3FFC];
	_ =	sdelay $0x3  }
0x94: {  	_ =	strace s2  }
0x95: {  	s2 =	sld [smem:$0x3FFD];
	_ =	sdelay $0x3  }
0x96: {  	_ =	strace s2  }
0x97: {  	_ =	strace $0x8FFFFFFF  }
0x98: {  	s18 =	sld [smem:$0x3FDB];
	_ =	sdelay $0x1  }
0x99: {  	s19 =	simm.s32 $_scs_section_size  }
0x9a: {  	s4 =	simm.s32 $_size__tile_overlayer_lowered;
	s5 =	simm.s32 $_tile_overlayer_lowered  }
0x9b: {  	s22 =	simm.s32 $0x1BFF;
	s21 =	sshll.u32 s5, $0x1;
	s2 =	sadd.s32 s19, s18  }
0x9c: {  	s6 =	simm.s32 $0x0;
	s20 =	sshll.u32 s4, $0x1;
	s4 =	sadd.s32 s21, s2  }
0x9d: {  	[timem:s6], [sflag:s22] =	dma.local [hbm:s4], s20  }
0x9e: {  	_ =	swait.ge [sflag:s22], s20  }
0x9f: {  	s3 =	ssub.s32 $0x0, s20;
	[sflag:s22] =	ssyncset.done $0x0  }
0xa0: {  	[sflag:s22] =	ssyncadd.s32 s3;
	_ =	sdelay $0x1  }
0xa1: {  	s23 =	simm.s32 $0x1B8B  }
0xa2: {  	_ =	swait.ge [sflag:s23], $0x1  }
0xa3: {  	[sflag:s23] =	ssyncset.done $0x0  }
0xa4: {  	s25 =	simm.s32 $0x1B8E;
	s24 =	sld [smem:$0x3FFE];
	[sflag:s23] =	ssyncadd.s32 $0xFFFFFFFF  }
0xa5: {  	s26 =	simm.s32 $execute0_lowered;
	[smem:$0x3FD2] =	sst s25  }
0xa6: {  	s4 =	sshll.u32 s26, $0x1;
	_ =	strace $0x8000004C;
	[dreg:$0x1] =	wrdreg $0xFFFFFFFF  }
0xa7: {  	s28 =	simm.s32 $_size_execute0_lowered;
	s2 =	sadd.s32 s2, s4;
	[dreg:$0x0] =	wrdreg $0x0  }
0xa8: {  	s4 =	sshll.u32 s28, $0x1;
	[dreg:$0x2] =	wrdreg s2  }
0xa9: {  	[dreg:$0x3] =	wrdreg s4  }
0xaa: {  	[dreg:$0x4] =	wrdreg $0xC0  }
0xab: {  	_ =	task [dreg:s6], $0x5FFFF  }
0xac: {  	[dreg:$0x1] =	wrdreg $0xFFFFFFFF  }
0xad: {  	[dreg:$0x0] =	wrdreg $0x60  }
0xae: {  	[dreg:$0x2] =	wrdreg s24  }
0xaf: {  	[dreg:$0x3] =	wrdreg $0x9  }
0xb0: {  	_ =	task.clear_ibuf [dreg:s6], $0x4FFFF;
	_ =	strace $0x9000004C  }
0xb1: {  	s29 =	simm.s32 $0x9;
	_ =	strace $0x8000004E  }
0xb2: {  	_ =	swait.ge [sflag:s29], $0x1  }
0xb3: {  	[sflag:s29] =	ssyncadd.s32 $0xFFFFFFFF  }
0xb4: {  	_ =	strace $0x9000004E  }
0xb5: {  	_ =	sfence  }
0xb6: {  	s30 =	sld [smem:$0x0];
	_ =	sdelay $0x2  }
0xb7: {  	s31 =	sshll.u32 s1, $0xD;
	s1 =	sshrl.u32 s1, $0x2  }
0xb8: {  	s3 =	sand.u32 $0x4000, s31;
	s1 =	sadd.s32 s1, s30  }
0xb9: {  	s0 =	sor.u32 s3, s0;
	s1 =	sshll.u32 s1, $0x11  }
0xba: {  	s0 =	sor.u32 s1, s0  }
0xbb: {  	s0 =	sadd.s32 $0x8F2B, s0  }
0xbc: {  	[sflag:s0] =	ssyncadd.remote.s32 $0x1  }
0xbd: {  	_ =	sfence.sel $0xFFFF  }
0xbe: {  	[dreg:$0x0] =	wrdreg $0xFFFFFFFF;
	(pc) =	sbr.abs _section_cstart, $3  }
0xbf: {  	[dreg:$0x1] =	wrdreg $0xFFFFFFFF  }
0xc0: {  	_ =	task.clear_ibuf [dreg:s6], $0x2FFFF;
	_ =	strace $0x9FFFFFFF  }
0xc1: {  	(tm) =	ssettm $0x7FFFFFFF  }
tec
execute0_lowered:
.L_overlay_start_1:
0x0: {  	(tag) =	ssettag $0x1  }
0x1: {  	s0 =	srdreg.scid;
	s2 =	rddreg [dreg:$0x0]  }
0x2: {  	s1 =	stileid.u32;
	s5 =	simm.s32 $0x2;
	s9 =	simm.s32 $0x3  }
0x3: {  	s3 =	sshll.u32 s0, $0x4;
	s0 =	rddreg [dreg:$0x1];
	_ =	strace $0x8000004D  }
.Ltmp0:
0x4: {  	s4 =	sand.u32 $0x10, s3;
	s3 =	simm.s32 $0x1;
	(pc) =	sbr.rel .LBB2_1-.Ltmp0, $4  }
0x5: {  	s11 =	simm.s32 $0x0;
	s4 =	sor.u32 s1, s4;
	[sflag:s3] =	ssyncpa.u1 $0x0  }
0x6: {  	p0 =	por $0x0, $0x0;
	s4 =	smul.u32 $0xC40, s4;
	[sflag:s5] =	ssyncpa.u1 $0x0  }
0x7: {  	s6 =	sadd.s32 $0x4CD200, s2;
	s7 =	sadd.s32 $0x4D0400, s2;
	[sflag:s9] =	ssyncpa.u1 $0x0  }
0x8: {  	vm0 =	vmmov $0xff;
	vm1 =	vcmask $0x3F20;
	s9 =	simm.s32 $0x0;
	s8 =	sadd.s32 $0xC40, s4;
	s10 =	smov.u32 s4  }
.LBB2_6:
0x9: {  	[hbm:s15] =	stream.linear.scatter [tilespmem:s12], [sflag:$0x3], $0x400, $0x38;
	[tilespmem:$0x18B10] =	vst v63  }
.LBB2_7:
0xa: {  	p1 =	slt.u32 s9, $0x2;
	s11 =	sadd.s32 $0x188, s10  }
0xb: {  	s13 =	smov.u32 s4;
	s9 =	sadd.s32 $0x1, s9;
	p2 =	slt.s32 s11, s8  }
0xc: {  	s13 =	smov.u32 @p2 s11;
	p2 =	sne.s32 s9, $0xA  }
.Ltmp1:
0xd: {  	_ = 	snop;
	(pc) =	sbr.rel @!p2 .LBB2_8-.Ltmp1, $4  }
0xe: {  	s12 =	simm.s32 @!p1 $0x3  }
0xf: {  	_ =	swait.ge @!p1 [sflag:s12], $0xC400  }
0x10: {  	p0 =	por !p0, !p0;
	[sflag:s12] =	ssyncset.done @!p1 $0x0  }
0x11: {  	s11 =	smov.u32 s10;
	s10 =	smov.u32 s13;
	[sflag:s12] =	ssyncadd.s32 @!p1 $0xFFFF3C00  }
.LBB2_1:
0x12: {  	p1 =	sgt.u32 s9, $0x7  }
0x13: {  	s12 =	sxor.u32 @!p1 $0xFFFFFFFF, s9  }
0x14: {  	s12 =	sand.u32 @!p1 $0x1, s12  }
0x15: {  	s12 =	smul.u32 @!p1 $0x620, s12  }
0x16: {  	s31 =	sadd.s32 $0xFFFFFFFF, s9;
	s13 =	sshrl.u32 @!p1 s10, $0x3  }
0x17: {  	s14 =	sand.u32 @!p1 $0x7, s10;
	s13 =	sadd.s32 @!p1 s6, s13;
	s12 =	sshrl.u32 @!p1 s12, $0x2  }
0x18: {  	[tilespmem:s12], [sflag:$0x2] =	stream.linear.gather @!p1 [hbm4b:s13+s14], $0x188, $0x38;
	[tilespmem:$0x18B10] =	vst v63  }
0x19: {  	p1 =	sgt.u32 s31, $0x7  }
.Ltmp2:
0x1a: {  	_ = 	snop;
	(pc) =	sbr.rel @p1 .LBB2_7-.Ltmp2, $1  }
0x1b: {  	_ =	sdelay $0x3  }
0x1c: {  	s12 =	simm.s32 $0x1  }
0x1d: {  	s12 =	simm.s32 @!p0 $0x0  }
0x1e: {  	s13 =	smul.u32 $0x620, s12  }
0x1f: {  	_ =	swait.ge [sflag:s5], $0x188  }
0x20: {  	[sflag:s5] =	ssyncset.done $0x0;
	s14 =	sshrl.u32 s13, $0x2  }
0x21: {  	[sflag:s5] =	ssyncadd.s32 $0xFFFFFE78;
	s13 =	sadd.s32 $0x0, s14  }
0x22: {  	v0 =	vld.msk [tilespmem:s13+$0x0 ss:$0x1], $0xffff;
	_ =	sdelay $0x4  }
0x23: {  	vm2 =	vgt.s32 v0, $0x0  }
0x24: {  	v0 =	vnsel vm2, $0x0, v0  }
0x25: {  	v0 =	vmin.u32 v0, $0x3FFFF  }
0x26: {  	v0 =	vshll.u32 v0, $0x4  }
0x27: {  	s12 =	smul.u32 $0x31000, s12  }
0x28: {  	s31 =	sand.u32 $0x1, s9  }
0x29: {  	s15 =	smul.u32 $0x620, s31;
	s12 =	sshrl.u32 s12, $0x2  }
0x2a: {  	s17 =	smul.u32 $0x31000, s31;
	s12 =	sor.u32 $0x310, s12  }
0x2b: {  	[tilespmem:s12], [sflag:$0x1] =	stream.indirect_vreg.gather [hbm:s2], $0x80, v0, vm0, $0x38;
	[tilespmem:$0x18B10] =	vst v63  }
0x2c: {  	s16 =	sshrl.u32 s15, $0x2;
	s18 =	sadd.s32 $0x10, s14;
	s13 =	sadd.s32 $0x400, s12  }
0x2d: {  	[tilespmem:s13], [sflag:$0x1] =	stream.indirect_vreg.gather [hbm:s2], $0x80, v0, vm1, $0x38;
	[tilespmem:$0x18B10] =	vst v63  }
0x2e: {  	s15 =	sshrl.u32 s17, $0x2;
	s17 =	smov.u32 s12;
	v0 =	vld.msk [tilespmem:s18+$0x0 ss:$0x1], $0xffff;
	s18 =	simm.s32 $0x80  }
.LBB2_3:
0x2f: {  	p1 =	sne.s32 s18, $0x5C0;
	_ =	sdelay $0x4  }
0x30: {  	vm2 =	vgt.s32 v0, $0x0  }
0x31: {  	v0 =	vnsel vm2, $0x0, v0  }
0x32: {  	v0 =	vmin.u32 v0, $0x3FFFF  }
0x33: {  	v0 =	vshll.u32 v0, $0x4;
	_ =	sdelay $0x3  }
.Ltmp3:
0x34: {  	s19 =	sshra.s32 s18, $0x2;
	s17 =	sadd.s32 $0x800, s17;
	(pc) =	sbr.rel @p1 .LBB2_3-.Ltmp3, $4  }
0x35: {  	[tilespmem:s17], [sflag:$0x1] =	stream.indirect_vreg.gather [hbm:s2], $0x80, v0, vm0, $0x38;
	[tilespmem:$0x18B10] =	vst v63  }
0x36: {  	s19 =	sadd.s32 s19, s14;
	s20 =	sadd.s32 $0x400, s17  }
0x37: {  	[tilespmem:s20], [sflag:$0x1] =	stream.indirect_vreg.gather [hbm:s2], $0x80, v0, vm1, $0x38;
	[tilespmem:$0x18B10] =	vst v63  }
0x38: {  	s18 =	sadd.s32 $0x40, s18;
	v0 =	vld.msk [tilespmem:s19+$0x0 ss:$0x1], $0xffff  }
0x39: {  	_ =	sdelay $0x3  }
0x3a: {  	vm2 =	vgt.s32 v0, $0x0  }
0x3b: {  	v0 =	vnsel vm2, $0x0, v0  }
0x3c: {  	v0 =	vmin.u32 v0, $0x3FFFF  }
0x3d: {  	v0 =	vshll.u32 v0, $0x4;
	_ =	sdelay $0x3  }
0x3e: {  	s14 =	sadd.s32 $0x800, s17  }
0x3f: {  	[tilespmem:s14], [sflag:$0x1] =	stream.indirect_vreg.gather [hbm:s2], $0x80, v0, vm0, $0x38;
	[tilespmem:$0x18B10] =	vst v63  }
0x40: {  	s14 =	sadd.s32 $0x400, s14  }
0x41: {  	[tilespmem:s14], [sflag:$0x1] =	stream.indirect_vreg.gather [hbm:s2], $0x80, v0, vm1, $0x38;
	[tilespmem:$0x18B10] =	vst v63  }
0x42: {  	v0 =	vld.msk [tilespmem:s16+$0x180 ss:$0x1], $0xff;
	_ =	sdelay $0x4  }
0x43: {  	vm2 =	vgt.s32 v0, $0x0  }
0x44: {  	v0 =	vnsel vm2, $0x0, v0  }
0x45: {  	v0 =	vmin.u32 v0, $0x3FFFF  }
0x46: {  	v0 =	vshll.u32 v0, $0x4;
	_ =	sdelay $0x3  }
0x47: {  	s31 =	sadd.s32 $0xC310, s15  }
0x48: {  	[tilespmem:s31], [sflag:$0x1] =	stream.indirect_vreg.gather [hbm:s2], $0x80, v0, vm0, $0x38;
	[tilespmem:$0x18B10] =	vst v63  }
0x49: {  	s11 =	sshll.u32 s11, $0x4;
	_ =	swait.ge [sflag:s3], $0xC400  }
0x4a: {  	s11 =	sadd.s32 s11, s7;
	[sflag:s3] =	ssyncset.done $0x0  }
0x4b: {  	s15 =	sadd.s32 $0x0, s11;
	s14 =	simm.s32 $0x80;
	[sflag:s3] =	ssyncadd.s32 $0xFFFF3C00  }
.LBB2_5:
0x4c: {  	[hbm:s15] =	stream.linear.scatter [tilespmem:s12], [sflag:$0x3], $0x400, $0x38;
	[tilespmem:$0x18B10] =	vst v63  }
0x4d: {  	s15 =	smov.u32 s14;
	s12 =	smov.u32 s13;
	p1 =	sne.s32 s14, $0x1800  }
.Ltmp4:
0x4e: {  	s14 =	sadd.s32 $0x80, s14;
	(pc) =	sbr.rel @p1 .LBB2_5-.Ltmp4, $2  }
0x4f: {  	_ =	sdelay $0x2  }
0x50: {  	s13 =	sadd.s32 $0x400, s13;
	s15 =	sadd.s32 s15, s11  }
.Ltmp5:
0x51: {  	_ = 	snop;
	(pc) =	sbr.rel .LBB2_6-.Ltmp5, $1  }
0x52: {  	_ =	sdelay $0x3  }
.LBB2_8:
0x53: {  	_ =	sfence.sel $0x180000  }
0x54: {  	s2 =	simm.s32 $0x2;
	[bflag:$0x0] =	sbarrier.arrive $0xFFFF  }
0x55: {  	s30 =	simm.s32 $0x3;
	[sflag:s2] =	ssyncpa.u1 $0x1  }
0x56: {  	s31 =	simm.s32 $0x1;
	[sflag:s30] =	ssyncpa.u1 $0x1  }
0x57: {  	[sflag:s31] =	ssyncpa.u1 $0x1  }
0x58: {  	p0 =	sne.s32 s1, $0x0;
	_ =	strace $0x9000004D  }
0x59: {  	s0 =	sadd.s32 @!p0 $0x100000, s0;
	[bflag:$0x2] =	sbarrier.arrive $0xFFFF  }
0x5a: {  	[sflag:s0] =	ssyncadd.tile.s32 @!p0 $0x1;
	_ =	shalt  }
.Lfunc_end2:
_tile_overlayer_lowered:
.L_overlay_start_2:
0x5b: {  	(tag) =	ssettag $0x2  }
0x5c: {  	s0 =	rddreg [dreg:$0x0];
	s2 =	stileid.u32  }
0x5d: {  	s1 =	rddreg [dreg:$0x1];
	p0 =	sne.s32 s2, $0x0  }
0x5e: {  	s3 =	rddreg [dreg:$0x2];
	[bflag:$0x3] =	sbarrier.arrive $0xFFFF;
	s2 =	simm.s32 @!p0 $0x1C01  }
0x5f: {  	[timem:s3], [sflag:s2] =	dma.local @!p0 [hbm:s0], s1  }
0x60: {  	s0 =	simm.s32 @!p0 $0x1  }
0x61: {  	_ =	swait.ge @!p0 [sflag:s0], s1  }
0x62: {  	s1 =	ssub.s32 @!p0 $0x0, s1;
	[sflag:s0] =	ssyncset.done @!p0 $0x0  }
0x63: {  	[sflag:s0] =	ssyncadd.s32 @!p0 s1  }
0x64: {  	[bflag:$0x3] =	sbarrier.arrive $0xFFFF  }
0x65: {  	_ =	shalt  }

// kernel: scatter_offload_async_start.1
scs
__scs_entry_jumppad:
0x0: {  	(pc) =	sbr.rel $0x88, $3  }
0x1: {  	(tag) =	ssettag $0x0;
	lr =	simm.s32 $0x1  }
0x2: {  	[smem:$0x3F97] =	sst lr;
	_ =	strace $0xD0000000  }
0x3: {  	_ = 	snop  }
0x4: {  	_ = 	snop  }
0x5: {  	_ = 	snop  }
0x6: {  	_ = 	snop  }
0x7: {  	_ = 	snop  }
__scs_overlays_trampoline_lowered:
0x8: {  	[smem:$0x3FA6] =	sst s0  }
0x9: {  	[smem:$0x3FA7] =	sst s1  }
0xa: {  	[smem:$0x3FA8] =	sst s2  }
0xb: {  	[smem:$0x3FA9] =	sst s3  }
0xc: {  	[smem:$0x3FAA] =	sst s4  }
0xd: {  	[smem:$0x3FAB] =	sst s5  }
0xe: {  	[smem:$0x3FAC] =	sst s6  }
0xf: {  	[smem:$0x3FAD] =	sst s7  }
0x10: {  	[smem:$0x3FAE] =	sst s8  }
0x11: {  	[smem:$0x3FAF] =	sst s9;
	s0 =	simm.s32 @!p0 $0x0  }
0x12: {  	s1 =	sld [smem:$0x3F95];
	s0 =	simm.s32 @p0 $0x1  }
0x13: {  	[smem:$0x3FB0] =	sst s0;
	s0 =	simm.s32 @!p1 $0x0  }
0x14: {  	s2 =	sld [smem:$0x3F94];
	s0 =	simm.s32 @p1 $0x1  }
0x15: {  	[smem:$0x3FB1] =	sst s0;
	s0 =	simm.s32 @!p2 $0x0  }
0x16: {  	s3 =	sld [smem:$0x3FDB];
	s0 =	simm.s32 @p2 $0x1  }
0x17: {  	s4 =	simm.s32 $0x1BF5;
	[smem:$0x3FB3] =	sst s0  }
0x18: {  	s0 =	sld [smem:$0x3F96];
	_ =	swait.ge [sflag:s4], $0x0  }
0x19: {  	s7 =	sld [smem:$0x3F97]  }
0x1a: {  	s8 =	sadd.s32 $0xFFFFE003, lr  }
0x1b: {  	s9 =	sadd.s32 $0xFFFFFEF7, lr;
	s5 =	simm.s32 $0xFFFFFFFF;
	p2 =	slt.u32 s8, $0xFFFFF086  }
0x1c: {  	p1 =	slt.u32 s9, $0xF7A;
	s5 =	simm.s32 @!p2 $0x0  }
0x1d: {  	s5 =	simm.s32 @p1 $0x1;
	p0 =	seq.s32 s7, s2  }
0x1e: {  	s7 =	smul.u32 @!p0 $0xF7A, s2;
	p2 =	seq.s32 @!p0 s5, $0x0  }
0x1f: {  	s9 =	smul.u32 $0xF7A, s1;
	s8 =	simm.s32 @!p0 $0x1BF5;
	p2 =	por !p2, p0  }
0x20: {  	[sflag:s8] =	ssyncset.s32 @!p0 $0xFFFFF086;
	s6 =	sadd.s32 @!p0 s3, s7;
	s7 =	simm.s32 @!p0 $0x108  }
0x21: {  	s3 =	sadd.s32 s3, s9;
	s6 =	sadd.s32 @!p0 $0x88, s6;
	s7 =	simm.s32 @p2 $0x1082  }
0x22: {  	[simem:s7], [sflag:s8] =	dma.local @!p0 [hbm:s6], $0xF7A  }
0x23: {  	s9 =	sor.u32 $0xD0000000, s2;
	s6 =	simm.s32 $0x108;
	_ =	swait.ge @!p0 [sflag:s8], $0x0  }
0x24: {  	s3 =	sadd.s32 $0x88, s3;
	s6 =	simm.s32 @!p1 $0x1082;
	[sflag:s4] =	ssyncset.s32 $0xFFFFF086  }
0x25: {  	[simem:s6], [sflag:s4] =	dma.local [hbm:s3], $0xF7A  }
0x26: {  	[smem:$0x3F97] =	sst s1;
	(tag) =	ssettag s2;
	_ =	strace s9  }
0x27: {  	s1 =	sld [smem:$0x3FA7]  }
0x28: {  	s2 =	sld [smem:$0x3FA8]  }
0x29: {  	s4 =	sld [smem:$0x3FAA]  }
0x2a: {  	p0 =	seq.s32 s5, $0x0;
	s5 =	sld [smem:$0x3FAB]  }
0x2b: {  	s6 =	sld [smem:$0x3FAC]  }
0x2c: {  	s7 =	sld [smem:$0x3FAD]  }
0x2d: {  	s3 =	simm.s32 $0x108;
	s8 =	sld [smem:$0x3FAE]  }
0x2e: {  	s3 =	simm.s32 @!p0 $0x1082;
	s9 =	sld [smem:$0x3FAF]  }
0x2f: {  	lr =	sadd.s32 s0, s3;
	s0 =	sld [smem:$0x3FA6]  }
0x30: {  	s3 =	sld [smem:$0x3FA9]  }
0x31: {  	[smem:$0x3FB2] =	sst s10  }
0x32: {  	s10 =	sld [smem:$0x3FB0];
	_ =	sdelay $0x3  }
0x33: {  	p0 =	seq.s32 s10, $0x1;
	s10 =	sld [smem:$0x3FB2];
	_ =	sdelay $0x3  }
0x34: {  	[smem:$0x3FB2] =	sst s10  }
0x35: {  	s10 =	sld [smem:$0x3FB1];
	_ =	sdelay $0x3  }
0x36: {  	p1 =	seq.s32 s10, $0x1;
	s10 =	sld [smem:$0x3FB2];
	_ =	sdelay $0x3  }
0x37: {  	[smem:$0x3FB2] =	sst s10  }
0x38: {  	s10 =	sld [smem:$0x3FB3]  }
0x39: {  	_ = 	snop;
	(pc) =	sbr.ind lr, $3  }
0x3a: {  	_ = 	snop  }
0x3b: {  	_ = 	snop  }
0x3c: {  	p2 =	seq.s32 s10, $0x1;
	s10 =	sld [smem:$0x3FB2]  }
0x3d: {  	_ =	shalt  }
0x3e: {  	_ =	shalt  }
0x3f: {  	_ =	shalt  }
0x40: {  	_ =	shalt  }
0x41: {  	_ =	shalt  }
0x42: {  	_ =	shalt  }
0x43: {  	_ =	shalt  }
0x44: {  	_ =	shalt  }
0x45: {  	_ =	shalt  }
0x46: {  	_ =	shalt  }
0x47: {  	_ =	shalt  }
0x48: {  	_ =	shalt  }
0x49: {  	_ =	shalt  }
0x4a: {  	_ =	shalt  }
0x4b: {  	_ =	shalt  }
0x4c: {  	_ =	shalt  }
0x4d: {  	_ =	shalt  }
0x4e: {  	_ =	shalt  }
0x4f: {  	_ =	shalt  }
0x50: {  	_ =	shalt  }
0x51: {  	_ =	shalt  }
0x52: {  	_ =	shalt  }
0x53: {  	_ =	shalt  }
0x54: {  	_ =	shalt  }
0x55: {  	_ =	shalt  }
0x56: {  	_ =	shalt  }
0x57: {  	_ =	shalt  }
0x58: {  	_ =	shalt  }
0x59: {  	_ =	shalt  }
0x5a: {  	_ =	shalt  }
0x5b: {  	_ =	shalt  }
0x5c: {  	_ =	shalt  }
0x5d: {  	_ =	shalt  }
0x5e: {  	_ =	shalt  }
0x5f: {  	_ =	shalt  }
0x60: {  	_ =	shalt  }
0x61: {  	_ =	shalt  }
0x62: {  	_ =	shalt  }
0x63: {  	_ =	shalt  }
0x64: {  	_ =	shalt  }
0x65: {  	_ =	shalt  }
0x66: {  	_ =	shalt  }
0x67: {  	_ =	shalt  }
0x68: {  	_ =	shalt  }
0x69: {  	_ =	shalt  }
0x6a: {  	_ =	shalt  }
0x6b: {  	_ =	shalt  }
0x6c: {  	_ =	shalt  }
0x6d: {  	_ =	shalt  }
0x6e: {  	_ =	shalt  }
0x6f: {  	_ =	shalt  }
0x70: {  	_ =	shalt  }
0x71: {  	_ =	shalt  }
0x72: {  	_ =	shalt  }
0x73: {  	_ =	shalt  }
0x74: {  	_ =	shalt  }
0x75: {  	_ =	shalt  }
0x76: {  	_ =	shalt  }
0x77: {  	_ =	shalt  }
0x78: {  	_ =	shalt  }
0x79: {  	_ =	shalt  }
0x7a: {  	_ =	shalt  }
0x7b: {  	_ =	shalt  }
0x7c: {  	_ =	shalt  }
0x7d: {  	_ =	shalt  }
0x7e: {  	_ =	shalt  }
0x7f: {  	_ =	shalt  }
0x80: {  	_ =	shalt  }
0x81: {  	_ =	shalt  }
0x82: {  	_ =	shalt  }
0x83: {  	_ =	shalt  }
0x84: {  	_ =	shalt  }
0x85: {  	_ =	shalt  }
0x86: {  	_ =	shalt  }
0x87: {  	_ =	shalt  }
.Lfunc_end0:
.L_simem_size_0:
called_computation.1_lowered:
.L_overlay_start_0:
0x88: {  	s0 =	sld [smem:$0x3FD9]  }
0x89: {  	s1 =	sld [smem:$0x3FFE];
	_ =	sdelay $0x3  }
0x8a: {  	s0 =	sadd.s32 s1, s0  }
0x8b: {  	[smem:$0x3FBE] =	sst s0  }
0x8c: {  	_ = 	snop  }
0x8d: {  	(tm) =	ssettm $0x1  }
0x8e: {  	s15 =	sld [smem:$0x3FFB];
	_ =	sdelay $0x3  }
0x8f: {  	_ =	strace s15  }
0x90: {  	s0 =	sld [smem:$0x3FFC];
	_ =	sdelay $0x3  }
0x91: {  	_ =	strace s0  }
0x92: {  	s0 =	sld [smem:$0x3FFD];
	_ =	sdelay $0x3  }
0x93: {  	_ =	strace s0  }
0x94: {  	_ =	strace $0x8FFFFFFF  }
0x95: {  	s16 =	sld [smem:$0x3FDB];
	_ =	sdelay $0x1  }
0x96: {  	s17 =	simm.s32 $_scs_section_size  }
0x97: {  	s2 =	simm.s32 $_size__tile_overlayer_lowered;
	s3 =	simm.s32 $_tile_overlayer_lowered  }
0x98: {  	s20 =	simm.s32 $0x1BFF;
	s19 =	sshll.u32 s3, $0x1;
	s0 =	sadd.s32 s17, s16  }
0x99: {  	s4 =	simm.s32 $0x0;
	s18 =	sshll.u32 s2, $0x1;
	s2 =	sadd.s32 s19, s0  }
0x9a: {  	[timem:s4], [sflag:s20] =	dma.local [hbm:s2], s18  }
0x9b: {  	_ =	swait.ge [sflag:s20], s18  }
0x9c: {  	s1 =	ssub.s32 $0x0, s18;
	[sflag:s20] =	ssyncset.done $0x0  }
0x9d: {  	[sflag:s20] =	ssyncadd.s32 s1;
	_ =	sdelay $0x1  }
0x9e: {  	s21 =	simm.s32 $0x1B8B  }
0x9f: {  	_ =	swait.ge [sflag:s21], $0x1  }
0xa0: {  	[sflag:s21] =	ssyncset.done $0x0  }
0xa1: {  	s23 =	simm.s32 $0x1B8E;
	s22 =	sld [smem:$0x3FFE];
	[sflag:s21] =	ssyncadd.s32 $0xFFFFFFFF  }
0xa2: {  	s24 =	simm.s32 $execute0_lowered;
	[smem:$0x3FD2] =	sst s23  }
0xa3: {  	s2 =	sshll.u32 s24, $0x1;
	_ =	strace $0x80000049;
	[dreg:$0x1] =	wrdreg $0xFFFFFFFF  }
0xa4: {  	s25 =	simm.s32 $_size_execute0_lowered;
	s0 =	sadd.s32 s0, s2;
	[dreg:$0x0] =	wrdreg $0x0  }
0xa5: {  	s2 =	sshll.u32 s25, $0x1;
	[dreg:$0x2] =	wrdreg s0  }
0xa6: {  	[dreg:$0x3] =	wrdreg s2  }
0xa7: {  	[dreg:$0x4] =	wrdreg $0xC0  }
0xa8: {  	_ =	task [dreg:s4], $0x5FFFF  }
0xa9: {  	[dreg:$0x1] =	wrdreg $0xFFFFFFFF  }
0xaa: {  	[dreg:$0x0] =	wrdreg $0x60  }
0xab: {  	[dreg:$0x2] =	wrdreg s22  }
0xac: {  	[dreg:$0x3] =	wrdreg $0x9  }
0xad: {  	_ =	task.clear_ibuf [dreg:s4], $0x4FFFF;
	_ =	strace $0x90000049  }
0xae: {  	s26 =	simm.s32 $0x9;
	_ =	strace $0x8000004B  }
0xaf: {  	_ =	swait.ge [sflag:s26], $0x1  }
0xb0: {  	[sflag:s26] =	ssyncadd.s32 $0xFFFFFFFF  }
0xb1: {  	_ =	strace $0x9000004B  }
0xb2: {  	_ =	sfence  }
0xb3: {  	s28 =	sld [smem:$0x0];
	_ =	sdelay $0x1  }
0xb4: {  	s29 =	srdreg.scid  }
0xb5: {  	s30 =	sshll.u32 s29, $0xD;
	s31 =	sshrl.u32 s29, $0x2  }
0xb6: {  	s1 =	sand.u32 $0x1, s29;
	s2 =	sand.u32 $0x4000, s30;
	s0 =	sadd.s32 s31, s28  }
0xb7: {  	s1 =	sor.u32 s2, s1;
	s0 =	sshll.u32 s0, $0x11  }
0xb8: {  	s0 =	sor.u32 s0, s1  }
0xb9: {  	s0 =	sadd.s32 $0x8F2B, s0  }
0xba: {  	[sflag:s0] =	ssyncadd.remote.s32 $0x1  }
0xbb: {  	_ =	sfence.sel $0xFFFF  }
0xbc: {  	[dreg:$0x0] =	wrdreg $0xFFFFFFFF;
	(pc) =	sbr.abs _section_cstart, $3  }
0xbd: {  	[dreg:$0x1] =	wrdreg $0xFFFFFFFF  }
0xbe: {  	_ =	task.clear_ibuf [dreg:s4], $0x2FFFF;
	_ =	strace $0x9FFFFFFF  }
0xbf: {  	(tm) =	ssettm $0x7FFFFFFF  }
tec
execute0_lowered:
.L_overlay_start_1:
0x0: {  	(tag) =	ssettag $0x1  }
0x1: {  	s0 =	rddreg [dreg:$0x0];
	_ =	strace $0x8000004A;
	s1 =	simm.s32 $0x1  }
0x2: {  	s8 =	simm.s32 $0x108;
	v0 =	vimm.s32 $0x0;
	[sflag:s1] =	ssyncpa.u1 $0x0  }
0x3: {  	[tilespmem:s8+$0x70] =	vst v0  }
0x4: {  	[tilespmem:s8+$0x60] =	vst v0  }
0x5: {  	[tilespmem:s8+$0x50] =	vst v0  }
0x6: {  	[tilespmem:s8+$0x40] =	vst v0  }
0x7: {  	[tilespmem:s8+$0x30] =	vst v0  }
0x8: {  	s4 =	simm.s32 $0x40;
	s2 =	sadd.s32 $0x4C9E00, s0;
	[tilespmem:s8+$0x20] =	vst v0  }
0x9: {  	s1 =	sadd.s32 $0x4E00, s0;
	s3 =	sadd.s32 $0x404E00, s0;
	s5 =	sadd.s32 $0x4CB800, s0;
	[tilespmem:s8+$0x10] =	vst v0  }
.LBB2_1:
0xa: {  	s4 =	sadd.s32 $0x40, s4;
	[tilespmem:s8+$0x0] =	vst v0;
	s8 =	sadd.s32 $0x80, s8  }
0xb: {  	p0 =	slt.u32 s4, $0x3C40;
	[tilespmem:s8+$0x70] =	vst v0  }
0xc: {  	[tilespmem:s8+$0x60] =	vst v0  }
.Ltmp0:
0xd: {  	[tilespmem:s8+$0x50] =	vst v0;
	(pc) =	sbr.rel @p0 .LBB2_1-.Ltmp0, $4  }
0xe: {  	[tilespmem:s8+$0x40] =	vst v0  }
0xf: {  	[tilespmem:s8+$0x30] =	vst v0  }
0x10: {  	[tilespmem:s8+$0x20] =	vst v0  }
0x11: {  	[tilespmem:s8+$0x10] =	vst v0  }
0x12: {  	s13 =	stileid.u32  }
0x13: {  	s0 =	simm.s32 $0x1;
	p0 =	sne.s32 s13, $0x0;
	s4 =	smul.u32 $0xD, s13  }
0x14: {  	s0 =	simm.s32 @!p0 $0x0  }
0x15: {  	s0 =	sadd.s32 s0, s4  }
0x16: {  	p1 =	seq.s32 s13, $0x0;
	s6 =	smul.u32 $0xF0, s0;
	s0 =	simm.s32 $0xD20  }
0x17: {  	s0 =	simm.s32 @!p1 $0xC30  }
0x18: {  	s0 =	sadd.s32 s0, s6  }
0x19: {  	s7 =	smin.u32 s0, $0xC350  }
0x1a: {  	s0 =	ssub.s32 s7, s6  }
0x1b: {  	p1 =	sgt.s32 s0, $0x0  }
0x1c: {  	s0 =	simm.s32 @!p1 $0x0  }
0x1d: {  	s30 =	smul.u32 $0x8889, s0  }
0x1e: {  	s31 =	simm.s32 $0x2;
	s9 =	simm.s32 $0x7;
	s10 =	simm.s32 $0x1  }
0x1f: {  	s12 =	simm.s32 $0x8;
	s19 =	simm.s32 $0x0;
	s4 =	sshrl.u32 s30, $0x17  }
0x20: {  	s15 =	simm.s32 $0xA;
	s17 =	simm.s32 $0x0;
	s11 =	smul.u32 $0xF0, s4  }
.Ltmp1:
0x21: {  	[tilespmem:s8+$0x0] =	vst v0;
	v0 =	vimm.s32 $0xFFFFFFFF;
	s18 =	simm.s32 $0x0;
	[sflag:s31] =	ssyncpa.u1 $0x0;
	(pc) =	sbr.rel .LBB2_3-.Ltmp1, $4  }
0x22: {  	[tilespmem:$0xF208] =	vst v0;
	[sflag:s9] =	ssyncpa.u1 $0x0;
	p1 =	sne.s32 s0, s11;
	s0 =	simm.s32 $0x1  }
0x23: {  	s13 =	sshll.u32 s13, $0x8;
	[sflag:s12] =	ssyncpa.u1 $0x0;
	s0 =	simm.s32 @!p1 $0x0  }
0x24: {  	s16 =	smov.u32 s6;
	s11 =	simm.s32 $0x9;
	s12 =	sadd.s32 s4, s0  }
0x25: {  	v0 =	vlaneseq.u32;
	[sflag:s11] =	ssyncpa.u1 $0x0;
	p1 =	por $0x0, $0x0;
	s14 =	sadd.s32 $0x1, s12  }
.LBB2_18:
0x26: {  	s0 =	sshrl.u32 s28, $0x2  }
.LBB2_20:
0x27: {  	_ =	swait.ge [sflag:s15], s0  }
0x28: {  	s31 =	ssub.s32 $0x0, s0;
	v1 =	vmov s21;
	vm0 =	veq.s32 v0, $0x0;
	[sflag:s15] =	ssyncset.done $0x0  }
0x29: {  	vm15 =	veq.s32 v0, $0x2;
	v1 =	vsel vm0, s26, v1;
	[sflag:s15] =	ssyncadd.s32 s31  }
0x2a: {  	v1 =	vsel vm15, s19, v1;
	[sflag:s15] =	ssyncpa.u1 $0x1  }
0x2b: {  	[tilespmem:$0xF208] =	vst v1  }
.LBB2_21:
0x2c: {  	s0 =	sadd.s32 $0xF0, s16  }
0x2d: {  	s4 =	smov.u32 s6;
	p2 =	slt.s32 s0, s7  }
0x2e: {  	s4 =	smov.u32 @p2 s0;
	p2 =	sne.s32 s18, s14  }
.Ltmp2:
0x2f: {  	_ = 	snop;
	(pc) =	sbr.rel @!p2 .LBB2_22-.Ltmp2, $3  }
0x30: {  	_ =	sdelay $0x1  }
0x31: {  	s19 =	smov.u32 s17;
	s31 =	sadd.s32 $0x1, s18;
	s17 =	smov.u32 s16  }
0x32: {  	p1 =	por !p1, !p1;
	s18 =	smov.u32 s31;
	s16 =	smov.u32 s4  }
.LBB2_3:
0x33: {  	p2 =	sge.u32 s18, s12  }
0x34: {  	s0 =	smulhi.u32 @!p2 $0xAAAAAAAB, s18  }
0x35: {  	s4 =	smov.u32 s16;
	p3 =	sgt.s32 @!p2 s16, $0xC260  }
0x36: {  	s20 =	sshra.s32 @!p2 s16, $0x1F;
	p3 =	por !p3, p2;
	s0 =	sshrl.u32 @!p2 s0, $0x1  }
0x37: {  	s20 =	sand.u32 @!p2 s20, s16;
	s4 =	simm.s32 @p3 $0xC260;
	s0 =	smul.u32 @!p2 $0x3, s0  }
0x38: {  	s4 =	ssub.s32 @!p2 s4, s20  }
0x39: {  	s4 =	sadd.s32 @!p2 $0xFFFF3DA0, s4;
	s0 =	ssub.s32 @!p2 s18, s0  }
0x3a: {  	s20 =	sshll.u32 @!p2 s4, $0x2;
	p3 =	sgt.s32 @!p2 s4, $0xEF;
	s0 =	smul.u32 @!p2 $0x3C0, s0  }
0x3b: {  	s21 =	sand.u32 @!p2 $0x7, s16;
	s4 =	ssub.s32 @!p2 $0x3C0, s20;
	p3 =	por !p3, p2  }
0x3c: {  	s20 =	sshrl.u32 @!p2 s16, $0x3;
	s4 =	sshrl.u32 @!p2 s4, $0x2;
	s0 =	sshrl.u32 @!p2 s0, $0x2  }
0x3d: {  	s20 =	sadd.s32 @!p2 s5, s20;
	s4 =	simm.s32 @!p3 $0x0;
	s0 =	sadd.s32 @!p2 $0x10238, s0  }
0x3e: {  	[tilespmem:s0], [sflag:$0x8] =	stream.linear.gather @!p2 [hbm4b:s20+s21], s4, $0x38;
	[tilespmem:$0x1F6E8] =	vst v63  }
0x3f: {  	s0 =	sadd.s32 $0xFFFFFFFF, s18  }
0x40: {  	p2 =	sge.u32 s0, s12  }
0x41: {  	p3 =	sgt.s32 @!p2 s17, $0xC260  }
0x42: {  	s4 =	smov.u32 s17;
	s20 =	sshra.s32 @!p2 s17, $0x1F;
	p3 =	por !p3, p2  }
0x43: {  	s20 =	sand.u32 @!p2 s20, s17;
	s4 =	simm.s32 @p3 $0xC260  }
0x44: {  	s4 =	ssub.s32 @!p2 s4, s20  }
0x45: {  	s4 =	sadd.s32 @!p2 $0xFFFF3DA0, s4  }
0x46: {  	s21 =	sand.u32 @!p2 $0x1, s0;
	s20 =	sshll.u32 @!p2 s4, $0x2  }
0x47: {  	p3 =	sgt.s32 @!p2 s4, $0xEF;
	s4 =	ssub.s32 @!p2 $0x3C0, s20;
	s20 =	smulhi.u32 @!p2 $0xAAAAAAAB, s0  }
0x48: {  	s23 =	smul.u32 @!p2 $0x3C0, s21;
	p3 =	por !p3, p2;
	s4 =	sshrl.u32 @!p2 s4, $0x2  }
0x49: {  	s22 =	simm.s32 @!p2 $0x8;
	s4 =	simm.s32 @!p3 $0x0;
	s20 =	sshrl.u32 @!p2 s20, $0x1  }
0x4a: {  	s23 =	sshrl.u32 @!p2 s23, $0x2;
	_ =	swait.ge @!p2 [sflag:s22], s4;
	s20 =	smul.u32 @!p2 $0x3, s20  }
0x4b: {  	s23 =	sor.u32 @!p2 $0x10508, s23;
	s24 =	ssub.s32 @!p2 $0x0, s4;
	[sflag:s22] =	ssyncset.done @!p2 $0x0  }
0x4c: {  	[sflag:s22] =	ssyncadd.s32 @!p2 s24;
	s22 =	sshrl.u32 @!p2 s17, $0x3;
	s0 =	ssub.s32 @!p2 s0, s20  }
0x4d: {  	s24 =	sand.u32 @!p2 $0x7, s17;
	s22 =	sadd.s32 @!p2 s2, s22;
	s0 =	smul.u32 @!p2 $0x3C0, s0  }
0x4e: {  	[tilespmem:s23], [sflag:$0x9] =	stream.linear.gather @!p2 [hbm4b:s22+s24], s4, $0x38;
	[tilespmem:$0x1F6E8] =	vst v63  }
0x4f: {  	s20 =	ssub.s32 @!p2 $0xC350, s17;
	s4 =	smul.u32 @!p2 $0x1E000, s21  }
0x50: {  	p3 =	slt.s32 @!p2 s20, $0xF0  }
0x51: {  	p3 =	por !p3, p2;
	s0 =	sshrl.u32 @!p2 s0, $0x2;
	s4 =	sshrl.u32 @!p2 s4, $0x2  }
0x52: {  	s20 =	simm.s32 @p3 $0xF0;
	s0 =	sadd.s32 @!p2 $0x10238, s0;
	s4 =	sor.u32 @!p2 $0x106E8, s4  }
0x53: {  	[tilespmem:s4], [sflag:$0x7] =	stream.indirect.gather @!p2 [hbm4b:s3+s20], $0x80, s0, s20, $0xb8;
	[tilespmem:$0x1F6E8] =	vst v63  }
0x54: {  	p2 =	slt.u32 s18, $0x2  }
.Ltmp3:
0x55: {  	_ = 	snop;
	(pc) =	sbr.rel @p2 .LBB2_21-.Ltmp3, $1  }
0x56: {  	_ =	sdelay $0x3  }
0x57: {  	p2 =	sgt.s32 s19, $0xC260;
	s0 =	smov.u32 s19  }
0x58: {  	s4 =	sshra.s32 s19, $0x1F;
	s20 =	ssub.s32 $0xC350, s19;
	s0 =	simm.s32 @!p2 $0xC260  }
0x59: {  	s4 =	sand.u32 s4, s19;
	p2 =	slt.s32 s20, $0xF0;
	s21 =	smov.u32 s20  }
0x5a: {  	s0 =	ssub.s32 s0, s4;
	s21 =	simm.s32 @!p2 $0xF0  }
0x5b: {  	s0 =	sadd.s32 $0xFFFF3DA0, s0;
	s28 =	sshll.u32 s21, $0x7  }
0x5c: {  	s29 =	sshll.u32 s0, $0x2;
	s4 =	sand.u32 $0x3FFFFF80, s28  }
0x5d: {  	p2 =	sgt.s32 s0, $0xEF;
	s30 =	ssub.s32 $0x3C0, s29;
	_ =	swait.ge [sflag:s9], s4  }
0x5e: {  	s4 =	ssub.s32 $0x0, s4;
	[sflag:s9] =	ssyncset.done $0x0;
	s0 =	sshrl.u32 s30, $0x2  }
0x5f: {  	[sflag:s9] =	ssyncadd.s32 s4;
	s0 =	simm.s32 @p2 $0x0  }
0x60: {  	_ =	swait.ge [sflag:s11], s0  }
0x61: {  	s0 =	ssub.s32 $0x0, s0;
	[sflag:s11] =	ssyncset.done $0x0  }
0x62: {  	[sflag:s11] =	ssyncadd.s32 s0  }
0x63: {  	v1 =	vld [tilespmem:$0xF208];
	_ =	sdelay $0x4  }
0x64: {  	(v2sf) =	vpush v1, $0x0  }
0x65: {  	(v2sf) =	vpush v1, $0x1  }
0x66: {  	(v2sf) =	vpush v1, $0x2;
	_ =	sdelay $0x3  }
0x67: {  	s0 =	sadd.s32 $0xF0, s19  }
0x68: {  	p2 =	slt.s32 s7, s0  }
0x69: {  	s0 =	smov.u32 @p2 s7;
	p2 =	sgt.s32 s20, $0x0  }
0x6a: {  	s23 =	ssub.s32 s0, s19;
	s20 =	simm.s32 @!p2 $0x0  }
0x6b: {  	p2 =	slt.s32 s20, s23  }
0x6c: {  	s23 =	smov.u32 @p2 s20  }
0x6d: {  	s22 =	simm.s32 $0x1;
	p2 =	slt.s32 s23, $0x1  }
.Ltmp4:
0x6e: {  	s22 =	simm.s32 @!p1 $0x0;
	(pc) =	sbr.rel @p2 .LBB2_8-.Ltmp4, $4  }
0x6f: {  	s31 =	smul.u32 $0x3C0, s22  }
0x70: {  	s24 =	spop (v2sf)  }
0x71: {  	s0 =	sshrl.u32 s31, $0x2;
	s26 =	spop (v2sf)  }
0x72: {  	s20 =	sor.u32 $0x10508, s0;
	s19 =	spop (v2sf)  }
0x73: {  	s0 =	smin.u32 s23, $0x10  }
0x74: {  	v1 =	vmov s0  }
0x75: {  	p3 =	sgt.s32 s23, $0x10;
	vm1 =	vgt.u32 v1, v0  }
.Ltmp5:
0x76: {  	_ = 	snop;
	(pc) =	sbr.rel @!p3 .LBB2_7-.Ltmp5, $2  }
0x77: {  	_ =	sdelay $0x2  }
0x78: {  	s25 =	simm.s32 $0x10;
	s28 =	sadd.s32 $0xFFFFFFF0, s23;
	s21 =	smov.u32 s20;
	vm0 =	vmmov vm1  }
.LBB2_6:
0x79: {  	s0 =	smin.u32 s28, $0x10;
	s25 =	sadd.s32 $0x10, s25;
	v1 =	vld.msk [tilespmem:s21+$0x0 ss:$0x1], vm1  }
0x7a: {  	v2 =	vmov s0;
	p3 =	slt.s32 s25, s23  }
0x7b: {  	vm1 =	vgt.u32 v2, v0  }
.Ltmp6:
0x7c: {  	(pc) =	sbr.rel @p3 .LBB2_6-.Ltmp6, $3  }
0x7d: {  	_ =	sdelay $0x1  }
0x7e: {  	v1 =	vshll.u32 v1, $0x4  }
0x7f: {  	s28 =	sadd.s32 $0xFFFFFFF0, s28;
	[tilespmem:s21+$0x0] =	vst.msk vm0, v1;
	s21 =	sadd.s32 $0x10, s21;
	vm0 =	vmmov vm1  }
.LBB2_7:
0x80: {  	_ =	sdelay $0x4  }
0x81: {  	v1 =	vld.msk [tilespmem:s21+$0x0 ss:$0x1], vm1;
	_ =	sdelay $0x4  }
0x82: {  	v1 =	vshll.u32 v1, $0x4  }
0x83: {  	[tilespmem:s21+$0x0] =	vst.msk vm0, v1  }
.LBB2_8:
0x84: {  	s0 =	sand.u32 $0x1, s18  }
0x85: {  	s0 =	smul.u32 $0xF0, s0  }
0x86: {  	p3 =	sne.s32 s26, $0xFFFFFFFF  }
0x87: {  	v1 =	vld.msk @!p3 [tilespmem:s0+$0x10508], $0x1;
	_ =	sdelay $0x4  }
0x88: {  	(v2sf) =	vpush @!p3 v1, $0x0;
	_ =	sdelay $0xc  }
.Ltmp7:
0x89: {  	_ = 	snop;
	(pc) =	sbr.rel @p2 .LBB2_19-.Ltmp7, $4  }
0x8a: {  	_ = 	snop  }
0x8b: {  	s25 =	spop @!p3 (v2sf)  }
0x8c: {  	s19 =	simm.s32 @!p3 $0x0;
	s21 =	smov.u32 s25  }
0x8d: {  	[sflag:s15] =	ssyncpa.u1 $0x0;
	s25 =	smov.u32 @p3 s24;
	s21 =	smov.u32 @p3 s26  }
0x8e: {  	v1 =	vld.msk [tilespmem:s20+$0x0], $0x1;
	_ =	sdelay $0x4  }
0x8f: {  	(v2sf) =	vpush v1, $0x0;
	_ =	sdelay $0xe  }
0x90: {  	s0 =	smul.u32 $0x1E000, s22;
	s29 =	spop (v2sf)  }
0x91: {  	s23 =	ssub.s32 $0x0, s23;
	p2 =	seq.s32 s25, s29  }
0x92: {  	s26 =	sadd.s32 $0x1, s23;
	s0 =	sshrl.u32 s0, $0x2;
	p3 =	sgt.s32 @!p2 s25, $0x0  }
0x93: {  	s22 =	sor.u32 $0x10728, s0;
	s0 =	smov.u32 s25;
	p3 =	por !p3, p2  }
0x94: {  	s0 =	simm.s32 @p3 $0x0;
	p3 =	seq.s32 s26, $0x0  }
.Ltmp8:
0x95: {  	_ = 	snop;
	(pc) =	sbr.rel @p3 .LBB2_11-.Ltmp8, $4  }
0x96: {  	_ = 	snop  }
0x97: {  	s24 =	simm.s32 $0x0;
	s28 =	sadd.s32 $0x1, s20;
	s0 =	smin.u32 @!p2 s0, $0x3FFFF0  }
0x98: {  	s30 =	simm.s32 @!p2 $0x1;
	s31 =	simm.s32 @!p2 $0x7988;
	s4 =	sand.u32 @!p2 $0x3FFFF8, s0  }
0x99: {  	s30 =	smov.u32 @p2 s24;
	s0 =	sand.u32 @!p2 $0x7, s0;
	s4 =	sadd.s32 @!p2 s1, s4  }
.LBB2_10:
0x9a: {  	s8 =	smov.u32 s30  }
0x9b: {  	[tilespmem:s31], [sflag:$0x2] =	stream.linear.gather @!p2 [hbm4b:s4+s0], $0x80, $0x38;
	[tilespmem:$0x1F6E8] =	vst v63  }
0x9c: {  	s26 =	sadd.s32 $0x1, s26;
	s0 =	smov.u32 s29;
	v1 =	vld.msk [tilespmem:s28+$0x0], $0x1  }
0x9d: {  	p3 =	seq.s32 s26, $0x0;
	_ =	sdelay $0x3  }
0x9e: {  	(v2sf) =	vpush v1, $0x0;
	_ =	sdelay $0xe  }
0x9f: {  	s29 =	spop (v2sf)  }
0xa0: {  	p2 =	seq.s32 s0, s29  }
0xa1: {  	p4 =	sgt.s32 @!p2 s0, $0x0;
	s4 =	sshll.u32 @!p2 s30, $0x9;
	s30 =	sadd.s32 @!p2 $0x1, s30  }
.Ltmp9:
0xa2: {  	p4 =	por !p4, p2;
	s4 =	sshra.s32 @!p2 s4, $0x2;
	(pc) =	sbr.rel @!p3 .LBB2_10-.Ltmp9, $4  }
0xa3: {  	s30 =	smov.u32 @p2 s8;
	s0 =	simm.s32 @p4 $0x0;
	s31 =	sadd.s32 @!p2 $0x7988, s4  }
0xa4: {  	s0 =	smin.u32 @!p2 s0, $0x3FFFF0  }
0xa5: {  	s4 =	sand.u32 @!p2 $0x3FFFF8, s0;
	s0 =	sand.u32 @!p2 $0x7, s0  }
0xa6: {  	s28 =	sadd.s32 $0x1, s28;
	s4 =	sadd.s32 @!p2 s1, s4  }
.LBB2_11:
0xa7: {  	[tilespmem:s31], [sflag:$0x2] =	stream.linear.gather @!p2 [hbm4b:s4+s0], $0x80, $0x38;
	[tilespmem:$0x1F6E8] =	vst v63  }
.Ltmp10:
0xa8: {  	s30 =	sshll.u32 s30, $0x7;
	(pc) =	sbr.rel .LBB2_12-.Ltmp10, $4  }
0xa9: {  	s31 =	simm.s32 $0x2;
	s0 =	sand.u32 $0x3FFFFF80, s30  }
0xaa: {  	_ =	swait.ge [sflag:s31], s0  }
0xab: {  	s0 =	ssub.s32 $0x0, s0;
	[sflag:s31] =	ssyncset.done $0x0  }
0xac: {  	s28 =	simm.s32 $0x0;
	[sflag:s31] =	ssyncadd.s32 s0  }
.LBB2_13:
0xad: {  	v1 =	vld [tilespmem:s22+$0xFFFFFFC0];
	_ =	sdelay $0x3  }
0xae: {  	s0 =	sshra.s32 s0, $0x2  }
0xaf: {  	[tilespmem:s0+$0x108] =	vst.add.f32.msk $0xffff, v1  }
0xb0: {  	v1 =	vld [tilespmem:s22+$0xFFFFFFD0];
	_ =	sdelay $0x4  }
0xb1: {  	[tilespmem:s0+$0x118] =	vst.add.f32.msk $0xffff, v1  }
0xb2: {  	v1 =	vld [tilespmem:s22+$0xFFFFFFE0];
	_ =	sdelay $0x4  }
0xb3: {  	[tilespmem:s0+$0x128] =	vst.add.f32.msk $0xffff, v1  }
0xb4: {  	v1 =	vld [tilespmem:s22+$0xFFFFFFF0];
	_ =	sdelay $0x4  }
0xb5: {  	[tilespmem:s0+$0x138] =	vst.add.f32.msk $0xffff, v1  }
0xb6: {  	v1 =	vld [tilespmem:s22+$0x0];
	_ =	sdelay $0x4  }
0xb7: {  	[tilespmem:s0+$0x148] =	vst.add.f32.msk $0xffff, v1  }
0xb8: {  	v1 =	vld [tilespmem:s22+$0x10];
	_ =	sdelay $0x4  }
0xb9: {  	[tilespmem:s0+$0x158] =	vst.add.f32.msk $0xffff, v1  }
0xba: {  	v1 =	vld [tilespmem:s22+$0x20];
	_ =	sdelay $0x4  }
0xbb: {  	[tilespmem:s0+$0x168] =	vst.add.f32.msk $0xffff, v1  }
0xbc: {  	v1 =	vld [tilespmem:s22+$0x30];
	_ =	sdelay $0x4  }
0xbd: {  	[tilespmem:s0+$0x178] =	vst.add.f32.msk $0xffff, v1  }
.LBB2_17:
0xbe: {  	s23 =	sadd.s32 $0x1, s23  }
0xbf: {  	p2 =	seq.s32 s23, $0x0  }
.Ltmp11:
0xc0: {  	_ = 	snop;
	(pc) =	sbr.rel @p2 .LBB2_18-.Ltmp11, $2  }
0xc1: {  	_ =	sdelay $0x2  }
0xc2: {  	s20 =	sadd.s32 $0x1, s20;
	s22 =	sadd.s32 $0x80, s22;
	s25 =	smov.u32 s26  }
.LBB2_12:
0xc3: {  	v1 =	vld.msk [tilespmem:s20+$0x0], $0x1;
	_ =	sdelay $0x4  }
0xc4: {  	(v2sf) =	vpush v1, $0x0;
	_ =	sdelay $0xe  }
0xc5: {  	s26 =	spop (v2sf)  }
0xc6: {  	p2 =	sne.s32 s25, s26  }
.Ltmp12:
0xc7: {  	_ = 	snop;
	(pc) =	sbr.rel @!p2 .LBB2_13-.Ltmp12, $2  }
0xc8: {  	_ =	sdelay $0x2  }
0xc9: {  	s0 =	sshll.u32 s19, $0x9  }
0xca: {  	p2 =	seq.s32 s25, s21  }
.Ltmp13:
0xcb: {  	_ = 	snop;
	(pc) =	sbr.rel @!p2 .LBB2_15-.Ltmp13, $1  }
0xcc: {  	_ =	sdelay $0x3  }
0xcd: {  	s0 =	sshra.s32 s0, $0x2  }
.Ltmp14:
0xce: {  	s0 =	sadd.s32 $0x108, s0;
	(pc) =	sbr.rel .LBB2_16-.Ltmp14, $4  }
0xcf: {  	[spmem:s13] =	stream.linear.scatter [tilespmem:s0], [sflag:$0x1], $0x80, $0x38;
	[tilespmem:$0x1F6E8] =	vst v63  }
0xd0: {  	_ =	swait.ge [sflag:s10], $0x80  }
0xd1: {  	[sflag:s10] =	ssyncset.done $0x0  }
0xd2: {  	[sflag:s10] =	ssyncadd.s32 $0xFFFFFF80  }
.LBB2_15:
0xd3: {  	s4 =	sshll.u32 s24, $0x9  }
0xd4: {  	s4 =	sshra.s32 s4, $0x2  }
0xd5: {  	v1 =	vld [tilespmem:s4+$0x7988];
	_ =	sdelay $0x3  }
0xd6: {  	s0 =	sshra.s32 s0, $0x2  }
0xd7: {  	[tilespmem:s0+$0x108] =	vst.add.f32.msk $0xffff, v1  }
0xd8: {  	v1 =	vld [tilespmem:s4+$0x7998];
	_ =	sdelay $0x4  }
0xd9: {  	[tilespmem:s0+$0x118] =	vst.add.f32.msk $0xffff, v1  }
0xda: {  	v1 =	vld [tilespmem:s4+$0x79A8];
	_ =	sdelay $0x4  }
0xdb: {  	[tilespmem:s0+$0x128] =	vst.add.f32.msk $0xffff, v1  }
0xdc: {  	v1 =	vld [tilespmem:s4+$0x79B8];
	_ =	sdelay $0x4  }
0xdd: {  	[tilespmem:s0+$0x138] =	vst.add.f32.msk $0xffff, v1  }
0xde: {  	v1 =	vld [tilespmem:s4+$0x79C8];
	_ =	sdelay $0x4  }
0xdf: {  	[tilespmem:s0+$0x148] =	vst.add.f32.msk $0xffff, v1  }
0xe0: {  	v1 =	vld [tilespmem:s4+$0x79D8];
	_ =	sdelay $0x4  }
0xe1: {  	[tilespmem:s0+$0x158] =	vst.add.f32.msk $0xffff, v1  }
0xe2: {  	v1 =	vld [tilespmem:s4+$0x79E8];
	_ =	sdelay $0x4  }
0xe3: {  	[tilespmem:s0+$0x168] =	vst.add.f32.msk $0xffff, v1  }
0xe4: {  	v1 =	vld [tilespmem:s4+$0x79F8];
	_ =	sdelay $0x2  }
0xe5: {  	p2 =	sgt.u32 s25, $0x3FFFF0  }
0xe6: {  	s4 =	sand.u32 @!p2 $0x3FFFF8, s25  }
0xe7: {  	s8 =	sadd.s32 $0x108, s0;
	[tilespmem:s0+$0x178] =	vst.add.f32.msk $0xffff, v1;
	s0 =	sadd.s32 @!p2 s1, s4;
	s4 =	sand.u32 @!p2 $0x7, s25  }
0xe8: {  	[hbm4b:s0+s4] =	stream.linear.scatter @!p2 [tilespmem:s8], [sflag:$0xA], $0x80, $0x38;
	[tilespmem:$0x1F6E8] =	vst v63  }
0xe9: {  	s0 =	simm.s32 $0x0  }
0xea: {  	s0 =	simm.s32 @!p2 $0x200  }
0xeb: {  	s28 =	sadd.s32 s0, s28  }
.LBB2_16:
0xec: {  	s0 =	sadd.s32 $0x1, s19  }
0xed: {  	s4 =	smulhi.u32 $0x88888889, s0;
	_ =	sdelay $0x1  }
0xee: {  	v1 =	vld [tilespmem:s22+$0xFFFFFFC0];
	s4 =	sshrl.u32 s4, $0x7  }
0xef: {  	s4 =	smul.u32 $0xF0, s4;
	_ =	sdelay $0x1  }
0xf0: {  	s19 =	ssub.s32 s0, s4  }
0xf1: {  	s0 =	sshll.u32 s19, $0x7  }
0xf2: {  	[tilespmem:s0+$0x108] =	vst v1  }
0xf3: {  	v1 =	vld [tilespmem:s22+$0xFFFFFFD0];
	_ =	sdelay $0x4  }
0xf4: {  	[tilespmem:s0+$0x118] =	vst v1  }
0xf5: {  	v1 =	vld [tilespmem:s22+$0xFFFFFFE0];
	_ =	sdelay $0x4  }
0xf6: {  	[tilespmem:s0+$0x128] =	vst v1  }
0xf7: {  	v1 =	vld [tilespmem:s22+$0xFFFFFFF0];
	_ =	sdelay $0x4  }
0xf8: {  	[tilespmem:s0+$0x138] =	vst v1  }
0xf9: {  	v1 =	vld [tilespmem:s22+$0x0];
	_ =	sdelay $0x4  }
0xfa: {  	[tilespmem:s0+$0x148] =	vst v1  }
0xfb: {  	v1 =	vld [tilespmem:s22+$0x10];
	_ =	sdelay $0x4  }
0xfc: {  	[tilespmem:s0+$0x158] =	vst v1  }
0xfd: {  	v1 =	vld [tilespmem:s22+$0x20];
	_ =	sdelay $0x4  }
0xfe: {  	[tilespmem:s0+$0x168] =	vst v1  }
0xff: {  	v1 =	vld [tilespmem:s22+$0x30]  }
.Ltmp15:
0x100: {  	_ = 	snop;
	(pc) =	sbr.rel .LBB2_17-.Ltmp15, $2  }
0x101: {  	_ =	sdelay $0x2  }
0x102: {  	s24 =	sadd.s32 $0x1, s24;
	[tilespmem:s0+$0x178] =	vst v1  }
.LBB2_19:
.Ltmp16:
0x103: {  	(pc) =	sbr.rel .LBB2_20-.Ltmp16, $4  }
0x104: {  	_ = 	snop  }
0x105: {  	s0 =	simm.s32 $0x2  }
0x106: {  	_ =	swait.ge [sflag:s0], $0x0  }
0x107: {  	s26 =	smov.u32 s25;
	[sflag:s0] =	ssyncset.done $0x0;
	s0 =	simm.s32 $0x0  }
.LBB2_22:
0x108: {  	_ =	sfence.sel $0x180000  }
0x109: {  	s0 =	simm.s32 $0x7;
	[bflag:$0x0] =	sbarrier.arrive $0xFFFF  }
0x10a: {  	s24 =	simm.s32 $0x8;
	[sflag:s0] =	ssyncpa.u1 $0x1  }
0x10b: {  	s25 =	simm.s32 $0x9;
	[sflag:s24] =	ssyncpa.u1 $0x1  }
0x10c: {  	s26 =	simm.s32 $0x2;
	[sflag:s25] =	ssyncpa.u1 $0x1  }
0x10d: {  	[sflag:s26] =	ssyncpa.u1 $0x1  }
0x10e: {  	v0 =	vld [tilespmem:$0xF208];
	_ =	sdelay $0x4  }
0x10f: {  	(v2sf) =	vpush v0, $0x0  }
0x110: {  	(v2sf) =	vpush v0, $0x1;
	_ =	sdelay $0x1  }
0x111: {  	(v2sf) =	vpush v0, $0x2;
	_ =	sdelay $0xb  }
0x112: {  	s0 =	spop (v2sf)  }
0x113: {  	s2 =	spop (v2sf)  }
0x114: {  	s3 =	smov.u32 s0;
	p1 =	sne.s32 s0, s2  }
0x115: {  	s4 =	spop (v2sf);
	s3 =	simm.s32 @!p1 $0xFFFFFFFF  }
0x116: {  	v2 =	vimm.s32 $0x1;
	v3 =	vlaneseq.u32;
	p1 =	seq.s32 s4, $0xFFFFFFFF;
	v1 =	vmov s3  }
0x117: {  	s28 =	stileid.u32;
	v0 =	vperm.xlane v0, v2;
	p2 =	sne.s32 @!p1 s0, s2;
	v1 =	vperm.xlane v1, v3  }
0x118: {  	vm0 =	vcmask $0x3F04;
	s6 =	simm.s32 $0xF208;
	s0 =	simm.s32 @!p1 $0x1;
	p2 =	por !p2, p1  }
0x119: {  	s3 =	sshll.u32 s28, $0x1;
	s2 =	sshll.u32 @!p1 s4, $0x9;
	s0 =	simm.s32 @p2 $0x0;
	v0 =	vsel vm0, v1, v0  }
0x11a: {  	s5 =	sor.u32 $0x1000, s3;
	s2 =	sshra.s32 @!p1 s2, $0x2;
	s0 =	sor.u32 @!p1 s0, s3;
	[tilespmem:$0xF208] =	vst v0  }
0x11b: {  	[spmem:s5] =	stream.linear.scatter [tilespmem:s6], [sflag:$0x1], $0x2, $0x38;
	[tilespmem:$0x1F6E8] =	vst v63  }
0x11c: {  	s2 =	sadd.s32 @!p1 $0x108, s2;
	s0 =	sshll.u32 @!p1 s0, $0x7  }
0x11d: {  	[spmem:s0] =	stream.linear.scatter @!p1 [tilespmem:s2], [sflag:$0x1], $0x80, $0x38;
	[tilespmem:$0x1F6E8] =	vst v63  }
0x11e: {  	s0 =	simm.s32 @!p1 $0x82  }
0x11f: {  	s2 =	simm.s32 $0x1;
	s0 =	simm.s32 @p1 $0x2  }
0x120: {  	_ =	swait.ge [sflag:s2], s0  }
0x121: {  	s0 =	ssub.s32 $0x0, s0;
	[sflag:s2] =	ssyncset.done $0x0  }
0x122: {  	[sflag:s2] =	ssyncadd.s32 s0  }
0x123: {  	_ =	sfence.stream.spmem  }
0x124: {  	s29 =	simm.s32 $0x3;
	[bflag:$0x0] =	sbarrier.arrive $0xFFFF  }
0x125: {  	s30 =	simm.s32 $0x4;
	[sflag:s29] =	ssyncpa.u1 $0x1  }
0x126: {  	s31 =	simm.s32 $0x3C;
	[sflag:s30] =	ssyncpa.u1 $0x1  }
0x127: {  	[sflag:s31] =	ssyncpa.u1 $0x1  }
0x128: {  	_ =	sfence @p0  }
0x129: {  	[sflag:s2] =	ssyncpa.u1 @p0 $0x1  }
0x12a: {  	_ =	strace @p0 $0x9000004A  }
0x12b: {  	[bflag:$0x2] =	sbarrier.arrive @p0 $0xFFFF  }
0x12c: {  	_ =	shalt @p0  }
.LBB2_23:
0x12d: {  	_ =	sfence.stream.spmem;
	s0 =	simm.s32 $0x5  }
0x12e: {  	s2 =	simm.s32 $0x1000;
	s3 =	simm.s32 $0xF218;
	[sflag:s0] =	ssyncpa.u1 $0x0  }
0x12f: {  	[tilespmem:s3], [sflag:$0x5] =	stream.linear.gather [spmem:s2], $0x20, $0x38;
	[tilespmem:$0x1F6E8] =	vst v63  }
0x130: {  	s30 =	simm.s32 $0xF238;
	s2 =	simm.s32 $0x0  }
0x131: {  	[tilespmem:s30], [sflag:$0x5] =	stream.linear.gather [spmem:s2], $0x1000, $0x38;
	[tilespmem:$0x1F6E8] =	vst v63  }
.Ltmp17:
0x132: {  	_ = 	snop;
	(pc) =	sbr.rel .LBB2_24-.Ltmp17, $4  }
0x133: {  	_ =	swait.ge [sflag:s0], $0x1020  }
0x134: {  	[sflag:s0] =	ssyncset.done $0x0  }
0x135: {  	s31 =	simm.s32 $0x6;
	[sflag:s0] =	ssyncadd.s32 $0xFFFFEFE0  }
0x136: {  	s3 =	simm.s32 $0x0;
	[sflag:s31] =	ssyncpa.u1 $0x0  }
.LBB2_30:
0x137: {  	p0 =	slt.u32 s4, $0x3FFFF1  }
0x138: {  	s0 =	sand.u32 @p0 $0x3FFFF8, s4  }
0x139: {  	s4 =	sand.u32 @p0 $0x7, s4;
	s5 =	simm.s32 @p0 $0xF188;
	s0 =	sadd.s32 @p0 s1, s0  }
0x13a: {  	[tilespmem:s5], [sflag:$0x6] =	stream.linear.gather @p0 [hbm4b:s0+s4], $0x80, $0x38;
	[tilespmem:$0x1F6E8] =	vst v63  }
0x13b: {  	s0 =	simm.s32 @p0 $0x6  }
0x13c: {  	_ =	swait.ge @p0 [sflag:s0], $0x80  }
0x13d: {  	[sflag:s0] =	ssyncset.done @p0 $0x0  }
0x13e: {  	[sflag:s0] =	ssyncadd.s32 @p0 $0xFFFFFF80  }
0x13f: {  	v1 =	vld @p0 [tilespmem:$0xF188];
	_ =	sdelay $0x2  }
0x140: {  	s0 =	sshll.u32 @p0 s3, $0x9  }
0x141: {  	s4 =	sshrl.u32 @p0 s0, $0x2  }
0x142: {  	[tilespmem:s4+$0xF238] =	vst.add.f32.msk @p0 $0xffff, v1  }
0x143: {  	v1 =	vld @p0 [tilespmem:$0xF198];
	_ =	sdelay $0x4  }
0x144: {  	[tilespmem:s4+$0xF248] =	vst.add.f32.msk @p0 $0xffff, v1  }
0x145: {  	v1 =	vld @p0 [tilespmem:$0xF1A8];
	_ =	sdelay $0x4  }
0x146: {  	[tilespmem:s4+$0xF258] =	vst.add.f32.msk @p0 $0xffff, v1  }
0x147: {  	v1 =	vld @p0 [tilespmem:$0xF1B8];
	_ =	sdelay $0x4  }
0x148: {  	[tilespmem:s4+$0xF268] =	vst.add.f32.msk @p0 $0xffff, v1  }
0x149: {  	v1 =	vld @p0 [tilespmem:$0xF1C8];
	_ =	sdelay $0x4  }
0x14a: {  	[tilespmem:s4+$0xF278] =	vst.add.f32.msk @p0 $0xffff, v1  }
0x14b: {  	v1 =	vld @p0 [tilespmem:$0xF1D8];
	_ =	sdelay $0x4  }
0x14c: {  	[tilespmem:s4+$0xF288] =	vst.add.f32.msk @p0 $0xffff, v1  }
0x14d: {  	v1 =	vld @p0 [tilespmem:$0xF1E8];
	_ =	sdelay $0x4  }
0x14e: {  	[tilespmem:s4+$0xF298] =	vst.add.f32.msk @p0 $0xffff, v1  }
0x14f: {  	v1 =	vld @p0 [tilespmem:$0xF1F8];
	_ =	sdelay $0x3  }
0x150: {  	s5 =	sshll.u32 @!p0 s3, $0x9  }
0x151: {  	s5 =	smov.u32 @p0 s0;
	[tilespmem:s4+$0xF2A8] =	vst.add.f32.msk @p0 $0xffff, v1  }
0x152: {  	s0 =	sshrl.u32 s5, $0x2;
	[tilespmem:s2+$0xF218] =	vst.msk $0x1, v0  }
0x153: {  	v0 =	vld [tilespmem:s0+$0xF238];
	_ =	sdelay $0x2  }
0x154: {  	s31 =	sshll.u32 s2, $0x9  }
0x155: {  	s4 =	sshra.s32 s31, $0x2  }
0x156: {  	[tilespmem:s4+$0xF238] =	vst v0  }
0x157: {  	v0 =	vld [tilespmem:s0+$0xF248];
	_ =	sdelay $0x4  }
0x158: {  	[tilespmem:s4+$0xF248] =	vst v0  }
0x159: {  	v0 =	vld [tilespmem:s0+$0xF258];
	_ =	sdelay $0x4  }
0x15a: {  	[tilespmem:s4+$0xF258] =	vst v0  }
0x15b: {  	v0 =	vld [tilespmem:s0+$0xF268];
	_ =	sdelay $0x4  }
0x15c: {  	[tilespmem:s4+$0xF268] =	vst v0  }
0x15d: {  	v0 =	vld [tilespmem:s0+$0xF278];
	_ =	sdelay $0x4  }
0x15e: {  	[tilespmem:s4+$0xF278] =	vst v0  }
0x15f: {  	v0 =	vld [tilespmem:s0+$0xF288];
	_ =	sdelay $0x4  }
0x160: {  	[tilespmem:s4+$0xF288] =	vst v0  }
0x161: {  	v0 =	vld [tilespmem:s0+$0xF298];
	_ =	sdelay $0x4  }
0x162: {  	[tilespmem:s4+$0xF298] =	vst v0  }
0x163: {  	v0 =	vld [tilespmem:s0+$0xF2A8];
	_ =	sdelay $0x4  }
0x164: {  	s2 =	sadd.s32 $0x1, s2;
	[tilespmem:s4+$0xF2A8] =	vst v0  }
.LBB2_31:
0x165: {  	s3 =	sadd.s32 $0x1, s3  }
0x166: {  	p0 =	sne.s32 s3, $0x20  }
.Ltmp18:
0x167: {  	_ = 	snop;
	(pc) =	sbr.rel @!p0 .LBB2_32-.Ltmp18, $1  }
0x168: {  	_ =	sdelay $0x3  }
.LBB2_24:
0x169: {  	v0 =	vld.msk [tilespmem:s3+$0xF218], $0x1;
	_ =	sdelay $0x4  }
0x16a: {  	(v2sf) =	vpush v0, $0x0;
	_ =	sdelay $0xe  }
0x16b: {  	s4 =	spop (v2sf)  }
0x16c: {  	p0 =	seq.s32 s4, $0xFFFFFFFF  }
.Ltmp19:
0x16d: {  	_ = 	snop;
	(pc) =	sbr.rel @p0 .LBB2_31-.Ltmp19, $1  }
0x16e: {  	_ =	sdelay $0x3  }
0x16f: {  	p0 =	slt.s32 s2, $0x1  }
.Ltmp20:
0x170: {  	_ = 	snop;
	(pc) =	sbr.rel @p0 .LBB2_30-.Ltmp20, $1  }
0x171: {  	_ =	sdelay $0x3  }
0x172: {  	s5 =	simm.s32 $0xF218;
	p0 =	por $0x0, $0x0  }
0x173: {  	v1 =	vld.msk @!p0 [tilespmem:s5+$0x0], $0x1;
	_ =	sdelay $0x4  }
0x174: {  	(v2sf) =	vpush @!p0 v1, $0x0;
	_ =	sdelay $0xd  }
0x175: {  	p2 =	sne.s32 s2, $0x1  }
.Ltmp21:
0x176: {  	s0 =	spop @!p0 (v2sf);
	(pc) =	sbr.rel @!p2 .LBB2_28-.Ltmp21, $4  }
0x177: {  	p1 =	seq.s32 @!p0 s4, s0  }
0x178: {  	s6 =	simm.s32 $0x0;
	p1 =	por !p1, p0  }
0x179: {  	s0 =	simm.s32 $0xFFFFFFFF;
	s6 =	simm.s32 @p1 $0xFFFFFFFF  }
0x17a: {  	s7 =	simm.s32 $0x1;
	s6 =	smov.u32 @p0 s0  }
.LBB2_27:
0x17b: {  	s0 =	smov.u32 s6;
	p0 =	sne.s32 s6, $0xFFFFFFFF  }
0x17c: {  	s5 =	sadd.s32 $0x1, s5;
	s6 =	smov.u32 s7;
	s7 =	sadd.s32 $0x1, s7  }
0x17d: {  	p1 =	sne.s32 s2, s7;
	v1 =	vld.msk @!p0 [tilespmem:s5+$0x0], $0x1;
	_ =	sdelay $0x4  }
0x17e: {  	(v2sf) =	vpush @!p0 v1, $0x0;
	_ =	sdelay $0xe  }
.Ltmp22:
0x17f: {  	s8 =	spop @!p0 (v2sf);
	(pc) =	sbr.rel @p1 .LBB2_27-.Ltmp22, $4  }
0x180: {  	p2 =	seq.s32 @!p0 s4, s8  }
0x181: {  	p2 =	por !p2, p0  }
0x182: {  	s6 =	simm.s32 @p2 $0xFFFFFFFF  }
0x183: {  	s6 =	smov.u32 @p0 s0  }
.LBB2_28:
0x184: {  	p0 =	seq.s32 s6, $0xFFFFFFFF  }
.Ltmp23:
0x185: {  	_ = 	snop;
	(pc) =	sbr.rel @p0 .LBB2_30-.Ltmp23, $1  }
0x186: {  	_ =	sdelay $0x3  }
0x187: {  	s0 =	sshll.u32 s3, $0x7  }
0x188: {  	s0 =	sand.u32 $0x3FFFFF80, s0  }
0x189: {  	v0 =	vld [tilespmem:s0+$0xF238];
	_ =	sdelay $0x2  }
0x18a: {  	s4 =	sshll.u32 s6, $0x9  }
0x18b: {  	s4 =	sshra.s32 s4, $0x2  }
0x18c: {  	[tilespmem:s4+$0xF238] =	vst.add.f32.msk $0xffff, v0  }
0x18d: {  	v0 =	vld [tilespmem:s0+$0xF248];
	_ =	sdelay $0x4  }
0x18e: {  	[tilespmem:s4+$0xF248] =	vst.add.f32.msk $0xffff, v0  }
0x18f: {  	v0 =	vld [tilespmem:s0+$0xF258];
	_ =	sdelay $0x4  }
0x190: {  	[tilespmem:s4+$0xF258] =	vst.add.f32.msk $0xffff, v0  }
0x191: {  	v0 =	vld [tilespmem:s0+$0xF268];
	_ =	sdelay $0x4  }
0x192: {  	[tilespmem:s4+$0xF268] =	vst.add.f32.msk $0xffff, v0  }
0x193: {  	v0 =	vld [tilespmem:s0+$0xF278];
	_ =	sdelay $0x4  }
0x194: {  	[tilespmem:s4+$0xF278] =	vst.add.f32.msk $0xffff, v0  }
0x195: {  	v0 =	vld [tilespmem:s0+$0xF288];
	_ =	sdelay $0x4  }
0x196: {  	[tilespmem:s4+$0xF288] =	vst.add.f32.msk $0xffff, v0  }
0x197: {  	v0 =	vld [tilespmem:s0+$0xF298];
	_ =	sdelay $0x4  }
0x198: {  	[tilespmem:s4+$0xF298] =	vst.add.f32.msk $0xffff, v0  }
0x199: {  	v0 =	vld [tilespmem:s0+$0xF2A8]  }
.Ltmp24:
0x19a: {  	_ = 	snop;
	(pc) =	sbr.rel .LBB2_31-.Ltmp24, $2  }
0x19b: {  	_ =	sdelay $0x2  }
0x19c: {  	[tilespmem:s4+$0xF2A8] =	vst.add.f32.msk $0xffff, v0  }
.LBB2_32:
0x19d: {  	p0 =	slt.s32 s2, $0x1  }
.Ltmp25:
0x19e: {  	_ = 	snop;
	(pc) =	sbr.rel @p0 .LBB2_36-.Ltmp25, $3  }
0x19f: {  	_ =	sdelay $0x1  }
0x1a0: {  	s0 =	simm.s32 $0x6  }
0x1a1: {  	s3 =	simm.s32 $0x0;
	[sflag:s0] =	ssyncpa.u1 $0x1  }
0x1a2: {  	s0 =	simm.s32 $0xF218  }
0x1a3: {  	v0 =	vld.msk [tilespmem:s0+$0x0], $0x1;
	_ =	sdelay $0x4  }
0x1a4: {  	(v2sf) =	vpush v0, $0x0;
	_ =	sdelay $0xd  }
0x1a5: {  	s2 =	sadd.s32 $0xFFFFFFFF, s2  }
0x1a6: {  	p1 =	sne.s32 s2, $0x0;
	s0 =	spop (v2sf)  }
.Ltmp26:
0x1a7: {  	p0 =	sgt.u32 s0, $0x3FFFF0;
	(pc) =	sbr.rel @!p1 .LBB2_35-.Ltmp26, $4  }
0x1a8: {  	s4 =	simm.s32 $0xF238;
	s5 =	sand.u32 @!p0 $0x3FFFF8, s0  }
0x1a9: {  	s6 =	simm.s32 $0x0;
	s0 =	sand.u32 @!p0 $0x7, s0;
	s5 =	sadd.s32 @!p0 s1, s5  }
0x1aa: {  	[hbm4b:s5+s0] =	stream.linear.scatter @!p0 [tilespmem:s4], [sflag:$0x5], $0x80, $0x38;
	[tilespmem:$0x1F6E8] =	vst v63  }
0x1ab: {  	s6 =	simm.s32 @!p0 $0x200;
	s5 =	simm.s32 $0xF219  }
.LBB2_34:
0x1ac: {  	v0 =	vld.msk [tilespmem:s5+$0x0], $0x1;
	s2 =	sadd.s32 $0xFFFFFFFF, s2;
	s3 =	sadd.s32 s3, s6  }
0x1ad: {  	p0 =	sne.s32 s2, $0x0;
	_ =	sdelay $0x3  }
0x1ae: {  	(v2sf) =	vpush v0, $0x0;
	_ =	sdelay $0xe  }
.Ltmp27:
0x1af: {  	s0 =	spop (v2sf);
	(pc) =	sbr.rel @p0 .LBB2_34-.Ltmp27, $4  }
0x1b0: {  	s6 =	simm.s32 $0x0;
	p1 =	sgt.u32 s0, $0x3FFFF0  }
0x1b1: {  	s4 =	sadd.s32 $0x80, s4;
	s6 =	simm.s32 @!p1 $0x200;
	s7 =	sand.u32 @!p1 $0x3FFFF8, s0  }
0x1b2: {  	s5 =	sadd.s32 $0x1, s5;
	s0 =	sand.u32 @!p1 $0x7, s0;
	s7 =	sadd.s32 @!p1 s1, s7  }
0x1b3: {  	[hbm4b:s7+s0] =	stream.linear.scatter @!p1 [tilespmem:s4], [sflag:$0x5], $0x80, $0x38;
	[tilespmem:$0x1F6E8] =	vst v63  }
.LBB2_35:
0x1b4: {  	s0 =	sadd.s32 s3, s6  }
0x1b5: {  	s3 =	sshrl.u32 s0, $0x2  }
.LBB2_36:
0x1b6: {  	s0 =	simm.s32 $0x5  }
0x1b7: {  	_ =	swait.ge [sflag:s0], s3  }
0x1b8: {  	s1 =	ssub.s32 $0x0, s3;
	[sflag:s0] =	ssyncset.done $0x0  }
0x1b9: {  	[sflag:s0] =	ssyncadd.s32 s1  }
0x1ba: {  	[sflag:s0] =	ssyncpa.u1 $0x1  }
0x1bb: {  	s30 =	simm.s32 $0x1;
	_ =	sfence  }
0x1bc: {  	[sflag:s30] =	ssyncpa.u1 $0x1  }
0x1bd: {  	_ =	strace $0x9000004A  }
0x1be: {  	[bflag:$0x2] =	sbarrier.arrive $0xFFFF  }
0x1bf: {  	s31 =	rddreg [dreg:$0x1]  }
0x1c0: {  	s0 =	sadd.s32 $0x100000, s31  }
0x1c1: {  	[sflag:s0] =	ssyncadd.tile.s32 $0x1;
	_ =	shalt  }
.Lfunc_end2:
_tile_overlayer_lowered:
.L_overlay_start_2:
0x1c2: {  	(tag) =	ssettag $0x2  }
0x1c3: {  	s0 =	rddreg [dreg:$0x0];
	s2 =	stileid.u32  }
0x1c4: {  	s1 =	rddreg [dreg:$0x1];
	p0 =	sne.s32 s2, $0x0  }
0x1c5: {  	s3 =	rddreg [dreg:$0x2];
	[bflag:$0x3] =	sbarrier.arrive $0xFFFF;
	s2 =	simm.s32 @!p0 $0x1C01  }
0x1c6: {  	[timem:s3], [sflag:s2] =	dma.local @!p0 [hbm:s0], s1  }
0x1c7: {  	s0 =	simm.s32 @!p0 $0x1  }
0x1c8: {  	_ =	swait.ge @!p0 [sflag:s0], s1  }
0x1c9: {  	s1 =	ssub.s32 @!p0 $0x0, s1;
	[sflag:s0] =	ssyncset.done @!p0 $0x0  }
0x1ca: {  	[sflag:s0] =	ssyncadd.s32 @!p0 s1  }
0x1cb: {  	[bflag:$0x3] =	sbarrier.arrive $0xFFFF  }
0x1cc: {  	_ =	shalt  }

// kernel: scatter_offload_async_start
scs
__scs_entry_jumppad:
0x0: {  	(pc) =	sbr.rel $0x88, $3  }
0x1: {  	(tag) =	ssettag $0x0;
	lr =	simm.s32 $0x1  }
0x2: {  	[smem:$0x3F97] =	sst lr;
	_ =	strace $0xD0000000  }
0x3: {  	_ = 	snop  }
0x4: {  	_ = 	snop  }
0x5: {  	_ = 	snop  }
0x6: {  	_ = 	snop  }
0x7: {  	_ = 	snop  }
__scs_overlays_trampoline_lowered:
0x8: {  	[smem:$0x3FA6] =	sst s0  }
0x9: {  	[smem:$0x3FA7] =	sst s1  }
0xa: {  	[smem:$0x3FA8] =	sst s2  }
0xb: {  	[smem:$0x3FA9] =	sst s3  }
0xc: {  	[smem:$0x3FAA] =	sst s4  }
0xd: {  	[smem:$0x3FAB] =	sst s5  }
0xe: {  	[smem:$0x3FAC] =	sst s6  }
0xf: {  	[smem:$0x3FAD] =	sst s7  }
0x10: {  	[smem:$0x3FAE] =	sst s8  }
0x11: {  	[smem:$0x3FAF] =	sst s9;
	s0 =	simm.s32 @!p0 $0x0  }
0x12: {  	s1 =	sld [smem:$0x3F95];
	s0 =	simm.s32 @p0 $0x1  }
0x13: {  	[smem:$0x3FB0] =	sst s0;
	s0 =	simm.s32 @!p1 $0x0  }
0x14: {  	s2 =	sld [smem:$0x3F94];
	s0 =	simm.s32 @p1 $0x1  }
0x15: {  	[smem:$0x3FB1] =	sst s0;
	s0 =	simm.s32 @!p2 $0x0  }
0x16: {  	s3 =	sld [smem:$0x3FDB];
	s0 =	simm.s32 @p2 $0x1  }
0x17: {  	s4 =	simm.s32 $0x1BF5;
	[smem:$0x3FB3] =	sst s0  }
0x18: {  	s0 =	sld [smem:$0x3F96];
	_ =	swait.ge [sflag:s4], $0x0  }
0x19: {  	s7 =	sld [smem:$0x3F97]  }
0x1a: {  	s8 =	sadd.s32 $0xFFFFE003, lr  }
0x1b: {  	s9 =	sadd.s32 $0xFFFFFEF7, lr;
	s5 =	simm.s32 $0xFFFFFFFF;
	p2 =	slt.u32 s8, $0xFFFFF086  }
0x1c: {  	p1 =	slt.u32 s9, $0xF7A;
	s5 =	simm.s32 @!p2 $0x0  }
0x1d: {  	s5 =	simm.s32 @p1 $0x1;
	p0 =	seq.s32 s7, s2  }
0x1e: {  	s7 =	smul.u32 @!p0 $0xF7A, s2;
	p2 =	seq.s32 @!p0 s5, $0x0  }
0x1f: {  	s9 =	smul.u32 $0xF7A, s1;
	s8 =	simm.s32 @!p0 $0x1BF5;
	p2 =	por !p2, p0  }
0x20: {  	[sflag:s8] =	ssyncset.s32 @!p0 $0xFFFFF086;
	s6 =	sadd.s32 @!p0 s3, s7;
	s7 =	simm.s32 @!p0 $0x108  }
0x21: {  	s3 =	sadd.s32 s3, s9;
	s6 =	sadd.s32 @!p0 $0x88, s6;
	s7 =	simm.s32 @p2 $0x1082  }
0x22: {  	[simem:s7], [sflag:s8] =	dma.local @!p0 [hbm:s6], $0xF7A  }
0x23: {  	s9 =	sor.u32 $0xD0000000, s2;
	s6 =	simm.s32 $0x108;
	_ =	swait.ge @!p0 [sflag:s8], $0x0  }
0x24: {  	s3 =	sadd.s32 $0x88, s3;
	s6 =	simm.s32 @!p1 $0x1082;
	[sflag:s4] =	ssyncset.s32 $0xFFFFF086  }
0x25: {  	[simem:s6], [sflag:s4] =	dma.local [hbm:s3], $0xF7A  }
0x26: {  	[smem:$0x3F97] =	sst s1;
	(tag) =	ssettag s2;
	_ =	strace s9  }
0x27: {  	s1 =	sld [smem:$0x3FA7]  }
0x28: {  	s2 =	sld [smem:$0x3FA8]  }
0x29: {  	s4 =	sld [smem:$0x3FAA]  }
0x2a: {  	p0 =	seq.s32 s5, $0x0;
	s5 =	sld [smem:$0x3FAB]  }
0x2b: {  	s6 =	sld [smem:$0x3FAC]  }
0x2c: {  	s7 =	sld [smem:$0x3FAD]  }
0x2d: {  	s3 =	simm.s32 $0x108;
	s8 =	sld [smem:$0x3FAE]  }
0x2e: {  	s3 =	simm.s32 @!p0 $0x1082;
	s9 =	sld [smem:$0x3FAF]  }
0x2f: {  	lr =	sadd.s32 s0, s3;
	s0 =	sld [smem:$0x3FA6]  }
0x30: {  	s3 =	sld [smem:$0x3FA9]  }
0x31: {  	[smem:$0x3FB2] =	sst s10  }
0x32: {  	s10 =	sld [smem:$0x3FB0];
	_ =	sdelay $0x3  }
0x33: {  	p0 =	seq.s32 s10, $0x1;
	s10 =	sld [smem:$0x3FB2];
	_ =	sdelay $0x3  }
0x34: {  	[smem:$0x3FB2] =	sst s10  }
0x35: {  	s10 =	sld [smem:$0x3FB1];
	_ =	sdelay $0x3  }
0x36: {  	p1 =	seq.s32 s10, $0x1;
	s10 =	sld [smem:$0x3FB2];
	_ =	sdelay $0x3  }
0x37: {  	[smem:$0x3FB2] =	sst s10  }
0x38: {  	s10 =	sld [smem:$0x3FB3]  }
0x39: {  	_ = 	snop;
	(pc) =	sbr.ind lr, $3  }
0x3a: {  	_ = 	snop  }
0x3b: {  	_ = 	snop  }
0x3c: {  	p2 =	seq.s32 s10, $0x1;
	s10 =	sld [smem:$0x3FB2]  }
0x3d: {  	_ =	shalt  }
0x3e: {  	_ =	shalt  }
0x3f: {  	_ =	shalt  }
0x40: {  	_ =	shalt  }
0x41: {  	_ =	shalt  }
0x42: {  	_ =	shalt  }
0x43: {  	_ =	shalt  }
0x44: {  	_ =	shalt  }
0x45: {  	_ =	shalt  }
0x46: {  	_ =	shalt  }
0x47: {  	_ =	shalt  }
0x48: {  	_ =	shalt  }
0x49: {  	_ =	shalt  }
0x4a: {  	_ =	shalt  }
0x4b: {  	_ =	shalt  }
0x4c: {  	_ =	shalt  }
0x4d: {  	_ =	shalt  }
0x4e: {  	_ =	shalt  }
0x4f: {  	_ =	shalt  }
0x50: {  	_ =	shalt  }
0x51: {  	_ =	shalt  }
0x52: {  	_ =	shalt  }
0x53: {  	_ =	shalt  }
0x54: {  	_ =	shalt  }
0x55: {  	_ =	shalt  }
0x56: {  	_ =	shalt  }
0x57: {  	_ =	shalt  }
0x58: {  	_ =	shalt  }
0x59: {  	_ =	shalt  }
0x5a: {  	_ =	shalt  }
0x5b: {  	_ =	shalt  }
0x5c: {  	_ =	shalt  }
0x5d: {  	_ =	shalt  }
0x5e: {  	_ =	shalt  }
0x5f: {  	_ =	shalt  }
0x60: {  	_ =	shalt  }
0x61: {  	_ =	shalt  }
0x62: {  	_ =	shalt  }
0x63: {  	_ =	shalt  }
0x64: {  	_ =	shalt  }
0x65: {  	_ =	shalt  }
0x66: {  	_ =	shalt  }
0x67: {  	_ =	shalt  }
0x68: {  	_ =	shalt  }
0x69: {  	_ =	shalt  }
0x6a: {  	_ =	shalt  }
0x6b: {  	_ =	shalt  }
0x6c: {  	_ =	shalt  }
0x6d: {  	_ =	shalt  }
0x6e: {  	_ =	shalt  }
0x6f: {  	_ =	shalt  }
0x70: {  	_ =	shalt  }
0x71: {  	_ =	shalt  }
0x72: {  	_ =	shalt  }
0x73: {  	_ =	shalt  }
0x74: {  	_ =	shalt  }
0x75: {  	_ =	shalt  }
0x76: {  	_ =	shalt  }
0x77: {  	_ =	shalt  }
0x78: {  	_ =	shalt  }
0x79: {  	_ =	shalt  }
0x7a: {  	_ =	shalt  }
0x7b: {  	_ =	shalt  }
0x7c: {  	_ =	shalt  }
0x7d: {  	_ =	shalt  }
0x7e: {  	_ =	shalt  }
0x7f: {  	_ =	shalt  }
0x80: {  	_ =	shalt  }
0x81: {  	_ =	shalt  }
0x82: {  	_ =	shalt  }
0x83: {  	_ =	shalt  }
0x84: {  	_ =	shalt  }
0x85: {  	_ =	shalt  }
0x86: {  	_ =	shalt  }
0x87: {  	_ =	shalt  }
.Lfunc_end0:
.L_simem_size_0:
called_computation_lowered:
.L_overlay_start_0:
0x88: {  	s0 =	sld [smem:$0x3FD9]  }
0x89: {  	s1 =	sld [smem:$0x3FFE];
	_ =	sdelay $0x3  }
0x8a: {  	s0 =	sadd.s32 s1, s0  }
0x8b: {  	[smem:$0x3FBE] =	sst s0  }
0x8c: {  	_ = 	snop  }
0x8d: {  	s0 =	sld [smem:$0x3FD0];
	(tm) =	ssettm $0x1  }
0x8e: {  	s16 =	sld [smem:$0x3FFB];
	_ =	sdelay $0x3  }
0x8f: {  	_ =	strace s16  }
0x90: {  	s1 =	sld [smem:$0x3FFC];
	_ =	sdelay $0x3  }
0x91: {  	_ =	strace s1  }
0x92: {  	s1 =	sld [smem:$0x3FFD];
	_ =	sdelay $0x3  }
0x93: {  	_ =	strace s1  }
0x94: {  	_ =	strace $0x8FFFFFFF  }
0x95: {  	s17 =	sld [smem:$0x3FDB];
	_ =	sdelay $0x1  }
0x96: {  	s2 =	simm.s32 $_scs_section_size  }
0x97: {  	s3 =	simm.s32 $_size__tile_overlayer_lowered;
	s4 =	simm.s32 $_tile_overlayer_lowered  }
0x98: {  	s20 =	simm.s32 $0x1BFF;
	s19 =	sshll.u32 s4, $0x1;
	s1 =	sadd.s32 s2, s17  }
0x99: {  	s5 =	simm.s32 $0x0;
	s18 =	sshll.u32 s3, $0x1;
	s3 =	sadd.s32 s19, s1  }
0x9a: {  	[timem:s5], [sflag:s20] =	dma.local [hbm:s3], s18  }
0x9b: {  	_ =	swait.ge [sflag:s20], s18  }
0x9c: {  	s2 =	ssub.s32 $0x0, s18;
	[sflag:s20] =	ssyncset.done $0x0  }
0x9d: {  	[sflag:s20] =	ssyncadd.s32 s2;
	_ =	sdelay $0x1  }
0x9e: {  	s21 =	simm.s32 $0x1B8B  }
0x9f: {  	_ =	swait.ge [sflag:s21], $0x1  }
0xa0: {  	[sflag:s21] =	ssyncset.done $0x0  }
0xa1: {  	s23 =	simm.s32 $0x1B8E;
	s22 =	sld [smem:$0x3FFE];
	[sflag:s21] =	ssyncadd.s32 $0xFFFFFFFF  }
0xa2: {  	s24 =	simm.s32 $execute0_lowered;
	[smem:$0x3FD2] =	sst s23  }
0xa3: {  	s3 =	sshll.u32 s24, $0x1;
	_ =	strace $0x80000046;
	[dreg:$0x1] =	wrdreg $0xFFFFFFFF  }
0xa4: {  	s25 =	simm.s32 $_size_execute0_lowered;
	s1 =	sadd.s32 s1, s3;
	[dreg:$0x0] =	wrdreg $0x0  }
0xa5: {  	s3 =	sshll.u32 s25, $0x1;
	[dreg:$0x2] =	wrdreg s1  }
0xa6: {  	[dreg:$0x3] =	wrdreg s3  }
0xa7: {  	[dreg:$0x4] =	wrdreg $0xC0  }
0xa8: {  	_ =	task [dreg:s5], $0x5FFFF  }
0xa9: {  	[dreg:$0x1] =	wrdreg $0xFFFFFFFF  }
0xaa: {  	[dreg:$0x0] =	wrdreg $0x60  }
0xab: {  	[dreg:$0x2] =	wrdreg s22  }
0xac: {  	[dreg:$0x3] =	wrdreg s0  }
0xad: {  	[dreg:$0x4] =	wrdreg $0x9  }
0xae: {  	_ =	task.clear_ibuf [dreg:s5], $0x5FFFF;
	_ =	strace $0x90000046  }
0xaf: {  	s26 =	simm.s32 $0x9;
	_ =	strace $0x80000048  }
0xb0: {  	_ =	swait.ge [sflag:s26], $0x1  }
0xb1: {  	[sflag:s26] =	ssyncadd.s32 $0xFFFFFFFF  }
0xb2: {  	_ =	strace $0x90000048  }
0xb3: {  	_ =	sfence  }
0xb4: {  	s28 =	sld [smem:$0x0];
	_ =	sdelay $0x1  }
0xb5: {  	s29 =	srdreg.scid  }
0xb6: {  	s30 =	sshll.u32 s29, $0xD;
	s31 =	sshrl.u32 s29, $0x2  }
0xb7: {  	s2 =	sand.u32 $0x4000, s30;
	s1 =	sand.u32 $0x1, s29;
	s0 =	sadd.s32 s31, s28  }
0xb8: {  	s1 =	sor.u32 s2, s1;
	s0 =	sshll.u32 s0, $0x11  }
0xb9: {  	s0 =	sor.u32 s0, s1  }
0xba: {  	s0 =	sadd.s32 $0x8F2B, s0  }
0xbb: {  	[sflag:s0] =	ssyncadd.remote.s32 $0x1  }
0xbc: {  	_ =	sfence.sel $0xFFFF  }
0xbd: {  	[dreg:$0x0] =	wrdreg $0xFFFFFFFF;
	(pc) =	sbr.abs _section_cstart, $3  }
0xbe: {  	[dreg:$0x1] =	wrdreg $0xFFFFFFFF  }
0xbf: {  	_ =	task.clear_ibuf [dreg:s5], $0x2FFFF;
	_ =	strace $0x9FFFFFFF  }
0xc0: {  	(tm) =	ssettm $0x7FFFFFFF  }
0xc1: {  	_ =	shalt  }
tec
execute0_lowered:
.L_overlay_start_1:
0x0: {  	(tag) =	ssettag $0x1  }
0x1: {  	s0 =	rddreg [dreg:$0x0]  }
0x2: {  	s29 =	rddreg [dreg:$0x1];
	_ =	strace $0x80000047;
	s1 =	simm.s32 $0x1  }
0x3: {  	s8 =	simm.s32 $0x108;
	v0 =	vimm.s32 $0x0;
	[sflag:s1] =	ssyncpa.u1 $0x0  }
0x4: {  	[tilespmem:s8+$0x70] =	vst v0  }
0x5: {  	[tilespmem:s8+$0x60] =	vst v0  }
0x6: {  	[tilespmem:s8+$0x50] =	vst v0  }
0x7: {  	[tilespmem:s8+$0x40] =	vst v0  }
0x8: {  	[tilespmem:s8+$0x30] =	vst v0  }
0x9: {  	s4 =	simm.s32 $0x40;
	[tilespmem:s8+$0x20] =	vst v0  }
0xa: {  	s1 =	sadd.s32 $0x4E00, s0;
	s3 =	sadd.s32 $0x1A00, s0;
	s5 =	sadd.s32 $0x3400, s0;
	[tilespmem:s8+$0x10] =	vst v0  }
.LBB2_1:
0xb: {  	s4 =	sadd.s32 $0x40, s4;
	[tilespmem:s8+$0x0] =	vst v0;
	s8 =	sadd.s32 $0x80, s8  }
0xc: {  	p0 =	slt.u32 s4, $0x3C40;
	[tilespmem:s8+$0x70] =	vst v0  }
0xd: {  	[tilespmem:s8+$0x60] =	vst v0  }
.Ltmp0:
0xe: {  	[tilespmem:s8+$0x50] =	vst v0;
	(pc) =	sbr.rel @p0 .LBB2_1-.Ltmp0, $4  }
0xf: {  	[tilespmem:s8+$0x40] =	vst v0  }
0x10: {  	[tilespmem:s8+$0x30] =	vst v0  }
0x11: {  	[tilespmem:s8+$0x20] =	vst v0  }
0x12: {  	[tilespmem:s8+$0x10] =	vst v0  }
0x13: {  	s2 =	stileid.u32  }
0x14: {  	s0 =	simm.s32 $0x1;
	p0 =	sne.s32 s2, $0x0;
	s4 =	smul.u32 $0xD, s2  }
0x15: {  	s0 =	simm.s32 @!p0 $0x0  }
0x16: {  	s0 =	sadd.s32 s0, s4  }
0x17: {  	p1 =	seq.s32 s2, $0x0;
	s6 =	smul.u32 $0xF0, s0;
	s0 =	simm.s32 $0xD20  }
0x18: {  	s0 =	simm.s32 @!p1 $0xC30  }
0x19: {  	s0 =	sadd.s32 s0, s6  }
0x1a: {  	s7 =	smin.u32 s0, $0xC350  }
0x1b: {  	s0 =	ssub.s32 s7, s6  }
0x1c: {  	p1 =	sgt.s32 s0, $0x0  }
0x1d: {  	s0 =	simm.s32 @!p1 $0x0  }
0x1e: {  	s30 =	smul.u32 $0x8889, s0  }
0x1f: {  	s31 =	simm.s32 $0x2;
	s9 =	simm.s32 $0x7;
	s10 =	simm.s32 $0x1  }
0x20: {  	s12 =	simm.s32 $0x8;
	s19 =	simm.s32 $0x0;
	s4 =	sshrl.u32 s30, $0x17  }
0x21: {  	s15 =	simm.s32 $0xA;
	s17 =	simm.s32 $0x0;
	s11 =	smul.u32 $0xF0, s4  }
.Ltmp1:
0x22: {  	[tilespmem:s8+$0x0] =	vst v0;
	v0 =	vimm.s32 $0xFFFFFFFF;
	s18 =	simm.s32 $0x0;
	[sflag:s31] =	ssyncpa.u1 $0x0;
	(pc) =	sbr.rel .LBB2_3-.Ltmp1, $4  }
0x23: {  	[tilespmem:$0xF208] =	vst v0;
	[sflag:s9] =	ssyncpa.u1 $0x0;
	p1 =	sne.s32 s0, s11;
	s0 =	simm.s32 $0x1  }
0x24: {  	s13 =	sshll.u32 s2, $0x8;
	[sflag:s12] =	ssyncpa.u1 $0x0;
	s0 =	simm.s32 @!p1 $0x0  }
0x25: {  	s16 =	smov.u32 s6;
	s11 =	simm.s32 $0x9;
	s12 =	sadd.s32 s4, s0  }
0x26: {  	v0 =	vlaneseq.u32;
	[sflag:s11] =	ssyncpa.u1 $0x0;
	p1 =	por $0x0, $0x0;
	s14 =	sadd.s32 $0x1, s12  }
.LBB2_18:
0x27: {  	s0 =	sshrl.u32 s28, $0x2  }
.LBB2_20:
0x28: {  	_ =	swait.ge [sflag:s15], s0  }
0x29: {  	s31 =	ssub.s32 $0x0, s0;
	v1 =	vmov s21;
	vm0 =	veq.s32 v0, $0x0;
	[sflag:s15] =	ssyncset.done $0x0  }
0x2a: {  	vm15 =	veq.s32 v0, $0x2;
	v1 =	vsel vm0, s26, v1;
	[sflag:s15] =	ssyncadd.s32 s31  }
0x2b: {  	v1 =	vsel vm15, s19, v1;
	[sflag:s15] =	ssyncpa.u1 $0x1  }
0x2c: {  	[tilespmem:$0xF208] =	vst v1  }
.LBB2_21:
0x2d: {  	s0 =	sadd.s32 $0xF0, s16  }
0x2e: {  	s2 =	smov.u32 s6;
	p2 =	slt.s32 s0, s7  }
0x2f: {  	s2 =	smov.u32 @p2 s0;
	p2 =	sne.s32 s18, s14  }
.Ltmp2:
0x30: {  	_ = 	snop;
	(pc) =	sbr.rel @!p2 .LBB2_22-.Ltmp2, $3  }
0x31: {  	_ =	sdelay $0x1  }
0x32: {  	s19 =	smov.u32 s17;
	s31 =	sadd.s32 $0x1, s18;
	s17 =	smov.u32 s16  }
0x33: {  	p1 =	por !p1, !p1;
	s18 =	smov.u32 s31;
	s16 =	smov.u32 s2  }
.LBB2_3:
0x34: {  	p2 =	sge.u32 s18, s12  }
0x35: {  	s0 =	smulhi.u32 @!p2 $0xAAAAAAAB, s18  }
0x36: {  	s4 =	smov.u32 s16;
	p3 =	sgt.s32 @!p2 s16, $0xC260  }
0x37: {  	s20 =	sshra.s32 @!p2 s16, $0x1F;
	p3 =	por !p3, p2;
	s0 =	sshrl.u32 @!p2 s0, $0x1  }
0x38: {  	s20 =	sand.u32 @!p2 s20, s16;
	s4 =	simm.s32 @p3 $0xC260;
	s0 =	smul.u32 @!p2 $0x3, s0  }
0x39: {  	s4 =	ssub.s32 @!p2 s4, s20  }
0x3a: {  	s4 =	sadd.s32 @!p2 $0xFFFF3DA0, s4;
	s0 =	ssub.s32 @!p2 s18, s0  }
0x3b: {  	s20 =	sshll.u32 @!p2 s4, $0x2;
	p3 =	sgt.s32 @!p2 s4, $0xEF;
	s0 =	smul.u32 @!p2 $0x3C0, s0  }
0x3c: {  	s21 =	sand.u32 @!p2 $0x7, s16;
	s4 =	ssub.s32 @!p2 $0x3C0, s20;
	p3 =	por !p3, p2  }
0x3d: {  	s20 =	sshrl.u32 @!p2 s16, $0x3;
	s4 =	sshrl.u32 @!p2 s4, $0x2;
	s0 =	sshrl.u32 @!p2 s0, $0x2  }
0x3e: {  	s20 =	sadd.s32 @!p2 s5, s20;
	s4 =	simm.s32 @!p3 $0x0;
	s0 =	sadd.s32 @!p2 $0x10238, s0  }
0x3f: {  	[tilespmem:s0], [sflag:$0x8] =	stream.linear.gather @!p2 [hbm4b:s20+s21], s4, $0x38;
	[tilespmem:$0x1F6E8] =	vst v63  }
0x40: {  	s0 =	sadd.s32 $0xFFFFFFFF, s18  }
0x41: {  	p2 =	sge.u32 s0, s12  }
0x42: {  	p3 =	sgt.s32 @!p2 s17, $0xC260  }
0x43: {  	s4 =	smov.u32 s17;
	s20 =	sshra.s32 @!p2 s17, $0x1F;
	p3 =	por !p3, p2  }
0x44: {  	s20 =	sand.u32 @!p2 s20, s17;
	s4 =	simm.s32 @p3 $0xC260  }
0x45: {  	s4 =	ssub.s32 @!p2 s4, s20  }
0x46: {  	s4 =	sadd.s32 @!p2 $0xFFFF3DA0, s4  }
0x47: {  	s21 =	sand.u32 @!p2 $0x1, s0;
	s20 =	sshll.u32 @!p2 s4, $0x2  }
0x48: {  	p3 =	sgt.s32 @!p2 s4, $0xEF;
	s4 =	ssub.s32 @!p2 $0x3C0, s20;
	s20 =	smulhi.u32 @!p2 $0xAAAAAAAB, s0  }
0x49: {  	s23 =	smul.u32 @!p2 $0x3C0, s21;
	p3 =	por !p3, p2;
	s4 =	sshrl.u32 @!p2 s4, $0x2  }
0x4a: {  	s22 =	simm.s32 @!p2 $0x8;
	s4 =	simm.s32 @!p3 $0x0;
	s20 =	sshrl.u32 @!p2 s20, $0x1  }
0x4b: {  	s23 =	sshrl.u32 @!p2 s23, $0x2;
	_ =	swait.ge @!p2 [sflag:s22], s4;
	s20 =	smul.u32 @!p2 $0x3, s20  }
0x4c: {  	s23 =	sor.u32 @!p2 $0x10508, s23;
	s24 =	ssub.s32 @!p2 $0x0, s4;
	[sflag:s22] =	ssyncset.done @!p2 $0x0  }
0x4d: {  	[sflag:s22] =	ssyncadd.s32 @!p2 s24;
	s22 =	sshrl.u32 @!p2 s17, $0x3;
	s0 =	ssub.s32 @!p2 s0, s20  }
0x4e: {  	s24 =	sand.u32 @!p2 $0x7, s17;
	s22 =	sadd.s32 @!p2 s3, s22;
	s0 =	smul.u32 @!p2 $0x3C0, s0  }
0x4f: {  	[tilespmem:s23], [sflag:$0x9] =	stream.linear.gather @!p2 [hbm4b:s22+s24], s4, $0x38;
	[tilespmem:$0x1F6E8] =	vst v63  }
0x50: {  	s20 =	ssub.s32 @!p2 $0xC350, s17;
	s4 =	smul.u32 @!p2 $0x1E000, s21  }
0x51: {  	p3 =	slt.s32 @!p2 s20, $0xF0  }
0x52: {  	p3 =	por !p3, p2;
	s0 =	sshrl.u32 @!p2 s0, $0x2;
	s4 =	sshrl.u32 @!p2 s4, $0x2  }
0x53: {  	s20 =	simm.s32 @p3 $0xF0;
	s0 =	sadd.s32 @!p2 $0x10238, s0;
	s4 =	sor.u32 @!p2 $0x106E8, s4  }
0x54: {  	[tilespmem:s4], [sflag:$0x7] =	stream.indirect.gather @!p2 [hbm4b:s29+s20], $0x80, s0, s20, $0xb8;
	[tilespmem:$0x1F6E8] =	vst v63  }
0x55: {  	p2 =	slt.u32 s18, $0x2  }
.Ltmp3:
0x56: {  	_ = 	snop;
	(pc) =	sbr.rel @p2 .LBB2_21-.Ltmp3, $1  }
0x57: {  	_ =	sdelay $0x3  }
0x58: {  	p2 =	sgt.s32 s19, $0xC260;
	s0 =	smov.u32 s19  }
0x59: {  	s4 =	sshra.s32 s19, $0x1F;
	s20 =	ssub.s32 $0xC350, s19;
	s0 =	simm.s32 @!p2 $0xC260  }
0x5a: {  	s4 =	sand.u32 s4, s19;
	p2 =	slt.s32 s20, $0xF0;
	s21 =	smov.u32 s20  }
0x5b: {  	s0 =	ssub.s32 s0, s4;
	s21 =	simm.s32 @!p2 $0xF0  }
0x5c: {  	s0 =	sadd.s32 $0xFFFF3DA0, s0;
	s26 =	sshll.u32 s21, $0x7  }
0x5d: {  	s28 =	sshll.u32 s0, $0x2;
	s4 =	sand.u32 $0x3FFFFF80, s26  }
0x5e: {  	p2 =	sgt.s32 s0, $0xEF;
	s30 =	ssub.s32 $0x3C0, s28;
	_ =	swait.ge [sflag:s9], s4  }
0x5f: {  	s4 =	ssub.s32 $0x0, s4;
	[sflag:s9] =	ssyncset.done $0x0;
	s0 =	sshrl.u32 s30, $0x2  }
0x60: {  	[sflag:s9] =	ssyncadd.s32 s4;
	s0 =	simm.s32 @p2 $0x0  }
0x61: {  	_ =	swait.ge [sflag:s11], s0  }
0x62: {  	s0 =	ssub.s32 $0x0, s0;
	[sflag:s11] =	ssyncset.done $0x0  }
0x63: {  	[sflag:s11] =	ssyncadd.s32 s0  }
0x64: {  	v1 =	vld [tilespmem:$0xF208];
	_ =	sdelay $0x4  }
0x65: {  	(v2sf) =	vpush v1, $0x0  }
0x66: {  	(v2sf) =	vpush v1, $0x1  }
0x67: {  	(v2sf) =	vpush v1, $0x2;
	_ =	sdelay $0x3  }
0x68: {  	s0 =	sadd.s32 $0xF0, s19  }
0x69: {  	p2 =	slt.s32 s7, s0  }
0x6a: {  	s0 =	smov.u32 @p2 s7;
	p2 =	sgt.s32 s20, $0x0  }
0x6b: {  	s23 =	ssub.s32 s0, s19;
	s20 =	simm.s32 @!p2 $0x0  }
0x6c: {  	p2 =	slt.s32 s20, s23  }
0x6d: {  	s23 =	smov.u32 @p2 s20  }
0x6e: {  	s22 =	simm.s32 $0x1;
	p2 =	slt.s32 s23, $0x1  }
.Ltmp4:
0x6f: {  	s22 =	simm.s32 @!p1 $0x0;
	(pc) =	sbr.rel @p2 .LBB2_8-.Ltmp4, $4  }
0x70: {  	s31 =	smul.u32 $0x3C0, s22  }
0x71: {  	s24 =	spop (v2sf)  }
0x72: {  	s0 =	sshrl.u32 s31, $0x2;
	s26 =	spop (v2sf)  }
0x73: {  	s20 =	sor.u32 $0x10508, s0;
	s19 =	spop (v2sf)  }
0x74: {  	s0 =	smin.u32 s23, $0x10  }
0x75: {  	v1 =	vmov s0  }
0x76: {  	p3 =	sgt.s32 s23, $0x10;
	vm1 =	vgt.u32 v1, v0  }
.Ltmp5:
0x77: {  	_ = 	snop;
	(pc) =	sbr.rel @!p3 .LBB2_7-.Ltmp5, $2  }
0x78: {  	_ =	sdelay $0x2  }
0x79: {  	s25 =	simm.s32 $0x10;
	s28 =	sadd.s32 $0xFFFFFFF0, s23;
	s21 =	smov.u32 s20;
	vm0 =	vmmov vm1  }
.LBB2_6:
0x7a: {  	s0 =	smin.u32 s28, $0x10;
	s25 =	sadd.s32 $0x10, s25;
	v1 =	vld.msk [tilespmem:s21+$0x0 ss:$0x1], vm1  }
0x7b: {  	v2 =	vmov s0;
	p3 =	slt.s32 s25, s23  }
0x7c: {  	vm1 =	vgt.u32 v2, v0  }
.Ltmp6:
0x7d: {  	(pc) =	sbr.rel @p3 .LBB2_6-.Ltmp6, $3  }
0x7e: {  	_ =	sdelay $0x1  }
0x7f: {  	v1 =	vshll.u32 v1, $0x4  }
0x80: {  	s28 =	sadd.s32 $0xFFFFFFF0, s28;
	[tilespmem:s21+$0x0] =	vst.msk vm0, v1;
	s21 =	sadd.s32 $0x10, s21;
	vm0 =	vmmov vm1  }
.LBB2_7:
0x81: {  	_ =	sdelay $0x4  }
0x82: {  	v1 =	vld.msk [tilespmem:s21+$0x0 ss:$0x1], vm1;
	_ =	sdelay $0x4  }
0x83: {  	v1 =	vshll.u32 v1, $0x4  }
0x84: {  	[tilespmem:s21+$0x0] =	vst.msk vm0, v1  }
.LBB2_8:
0x85: {  	s0 =	sand.u32 $0x1, s18  }
0x86: {  	s0 =	smul.u32 $0xF0, s0  }
0x87: {  	p3 =	sne.s32 s26, $0xFFFFFFFF  }
0x88: {  	v1 =	vld.msk @!p3 [tilespmem:s0+$0x10508], $0x1;
	_ =	sdelay $0x4  }
0x89: {  	(v2sf) =	vpush @!p3 v1, $0x0;
	_ =	sdelay $0xc  }
.Ltmp7:
0x8a: {  	_ = 	snop;
	(pc) =	sbr.rel @p2 .LBB2_19-.Ltmp7, $4  }
0x8b: {  	_ = 	snop  }
0x8c: {  	s25 =	spop @!p3 (v2sf)  }
0x8d: {  	s19 =	simm.s32 @!p3 $0x0;
	s21 =	smov.u32 s25  }
0x8e: {  	[sflag:s15] =	ssyncpa.u1 $0x0;
	s25 =	smov.u32 @p3 s24;
	s21 =	smov.u32 @p3 s26  }
0x8f: {  	v1 =	vld.msk [tilespmem:s20+$0x0], $0x1;
	_ =	sdelay $0x4  }
0x90: {  	(v2sf) =	vpush v1, $0x0;
	_ =	sdelay $0xe  }
0x91: {  	s8 =	smov.u32 s29;
	s0 =	smul.u32 $0x1E000, s22;
	s29 =	spop (v2sf)  }
0x92: {  	s23 =	ssub.s32 $0x0, s23;
	p2 =	seq.s32 s25, s29  }
0x93: {  	s26 =	sadd.s32 $0x1, s23;
	s0 =	sshrl.u32 s0, $0x2;
	p3 =	sgt.s32 @!p2 s25, $0x0  }
0x94: {  	s22 =	sor.u32 $0x10728, s0;
	s0 =	smov.u32 s25;
	p3 =	por !p3, p2  }
0x95: {  	s0 =	simm.s32 @p3 $0x0;
	p3 =	seq.s32 s26, $0x0  }
.Ltmp8:
0x96: {  	_ = 	snop;
	(pc) =	sbr.rel @p3 .LBB2_11-.Ltmp8, $4  }
0x97: {  	_ = 	snop  }
0x98: {  	s24 =	simm.s32 $0x0;
	s28 =	sadd.s32 $0x1, s20;
	s0 =	smin.u32 @!p2 s0, $0x3FFFF0  }
0x99: {  	s30 =	simm.s32 @!p2 $0x1;
	s31 =	simm.s32 @!p2 $0x7988;
	s4 =	sand.u32 @!p2 $0x3FFFF8, s0  }
0x9a: {  	s30 =	smov.u32 @p2 s24;
	s0 =	sand.u32 @!p2 $0x7, s0;
	s4 =	sadd.s32 @!p2 s1, s4  }
.LBB2_10:
0x9b: {  	s2 =	smov.u32 s30  }
0x9c: {  	[tilespmem:s31], [sflag:$0x2] =	stream.linear.gather @!p2 [hbm4b:s4+s0], $0x80, $0x38;
	[tilespmem:$0x1F6E8] =	vst v63  }
0x9d: {  	s26 =	sadd.s32 $0x1, s26;
	s0 =	smov.u32 s29;
	v1 =	vld.msk [tilespmem:s28+$0x0], $0x1  }
0x9e: {  	p3 =	seq.s32 s26, $0x0;
	_ =	sdelay $0x3  }
0x9f: {  	(v2sf) =	vpush v1, $0x0;
	_ =	sdelay $0xe  }
0xa0: {  	s29 =	spop (v2sf)  }
0xa1: {  	p2 =	seq.s32 s0, s29  }
0xa2: {  	p4 =	sgt.s32 @!p2 s0, $0x0;
	s4 =	sshll.u32 @!p2 s30, $0x9;
	s30 =	sadd.s32 @!p2 $0x1, s30  }
.Ltmp9:
0xa3: {  	p4 =	por !p4, p2;
	s4 =	sshra.s32 @!p2 s4, $0x2;
	(pc) =	sbr.rel @!p3 .LBB2_10-.Ltmp9, $4  }
0xa4: {  	s30 =	smov.u32 @p2 s2;
	s0 =	simm.s32 @p4 $0x0;
	s31 =	sadd.s32 @!p2 $0x7988, s4  }
0xa5: {  	s0 =	smin.u32 @!p2 s0, $0x3FFFF0  }
0xa6: {  	s2 =	sand.u32 @!p2 $0x3FFFF8, s0;
	s0 =	sand.u32 @!p2 $0x7, s0  }
0xa7: {  	s28 =	sadd.s32 $0x1, s28;
	s4 =	sadd.s32 @!p2 s1, s2  }
.LBB2_11:
0xa8: {  	[tilespmem:s31], [sflag:$0x2] =	stream.linear.gather @!p2 [hbm4b:s4+s0], $0x80, $0x38;
	[tilespmem:$0x1F6E8] =	vst v63  }
.Ltmp10:
0xa9: {  	s31 =	sshll.u32 s30, $0x7;
	(pc) =	sbr.rel .LBB2_12-.Ltmp10, $4  }
0xaa: {  	s2 =	simm.s32 $0x2;
	s0 =	sand.u32 $0x3FFFFF80, s31  }
0xab: {  	_ =	swait.ge [sflag:s2], s0  }
0xac: {  	s0 =	ssub.s32 $0x0, s0;
	[sflag:s2] =	ssyncset.done $0x0  }
0xad: {  	s28 =	simm.s32 $0x0;
	s29 =	smov.u32 s8;
	[sflag:s2] =	ssyncadd.s32 s0  }
.LBB2_13:
0xae: {  	v1 =	vld [tilespmem:s22+$0xFFFFFFC0];
	_ =	sdelay $0x3  }
0xaf: {  	s0 =	sshra.s32 s0, $0x2  }
0xb0: {  	[tilespmem:s0+$0x108] =	vst.add.f32.msk $0xffff, v1  }
0xb1: {  	v1 =	vld [tilespmem:s22+$0xFFFFFFD0];
	_ =	sdelay $0x4  }
0xb2: {  	[tilespmem:s0+$0x118] =	vst.add.f32.msk $0xffff, v1  }
0xb3: {  	v1 =	vld [tilespmem:s22+$0xFFFFFFE0];
	_ =	sdelay $0x4  }
0xb4: {  	[tilespmem:s0+$0x128] =	vst.add.f32.msk $0xffff, v1  }
0xb5: {  	v1 =	vld [tilespmem:s22+$0xFFFFFFF0];
	_ =	sdelay $0x4  }
0xb6: {  	[tilespmem:s0+$0x138] =	vst.add.f32.msk $0xffff, v1  }
0xb7: {  	v1 =	vld [tilespmem:s22+$0x0];
	_ =	sdelay $0x4  }
0xb8: {  	[tilespmem:s0+$0x148] =	vst.add.f32.msk $0xffff, v1  }
0xb9: {  	v1 =	vld [tilespmem:s22+$0x10];
	_ =	sdelay $0x4  }
0xba: {  	[tilespmem:s0+$0x158] =	vst.add.f32.msk $0xffff, v1  }
0xbb: {  	v1 =	vld [tilespmem:s22+$0x20];
	_ =	sdelay $0x4  }
0xbc: {  	[tilespmem:s0+$0x168] =	vst.add.f32.msk $0xffff, v1  }
0xbd: {  	v1 =	vld [tilespmem:s22+$0x30];
	_ =	sdelay $0x4  }
0xbe: {  	[tilespmem:s0+$0x178] =	vst.add.f32.msk $0xffff, v1  }
.LBB2_17:
0xbf: {  	s23 =	sadd.s32 $0x1, s23  }
0xc0: {  	p2 =	seq.s32 s23, $0x0  }
.Ltmp11:
0xc1: {  	_ = 	snop;
	(pc) =	sbr.rel @p2 .LBB2_18-.Ltmp11, $2  }
0xc2: {  	_ =	sdelay $0x2  }
0xc3: {  	s20 =	sadd.s32 $0x1, s20;
	s22 =	sadd.s32 $0x80, s22;
	s25 =	smov.u32 s26  }
.LBB2_12:
0xc4: {  	v1 =	vld.msk [tilespmem:s20+$0x0], $0x1;
	_ =	sdelay $0x4  }
0xc5: {  	(v2sf) =	vpush v1, $0x0;
	_ =	sdelay $0xe  }
0xc6: {  	s26 =	spop (v2sf)  }
0xc7: {  	p2 =	sne.s32 s25, s26  }
.Ltmp12:
0xc8: {  	_ = 	snop;
	(pc) =	sbr.rel @!p2 .LBB2_13-.Ltmp12, $2  }
0xc9: {  	_ =	sdelay $0x2  }
0xca: {  	s0 =	sshll.u32 s19, $0x9  }
0xcb: {  	p2 =	seq.s32 s25, s21  }
.Ltmp13:
0xcc: {  	_ = 	snop;
	(pc) =	sbr.rel @!p2 .LBB2_15-.Ltmp13, $1  }
0xcd: {  	_ =	sdelay $0x3  }
0xce: {  	s0 =	sshra.s32 s0, $0x2  }
.Ltmp14:
0xcf: {  	s0 =	sadd.s32 $0x108, s0;
	(pc) =	sbr.rel .LBB2_16-.Ltmp14, $4  }
0xd0: {  	[spmem:s13] =	stream.linear.scatter [tilespmem:s0], [sflag:$0x1], $0x80, $0x38;
	[tilespmem:$0x1F6E8] =	vst v63  }
0xd1: {  	_ =	swait.ge [sflag:s10], $0x80  }
0xd2: {  	[sflag:s10] =	ssyncset.done $0x0  }
0xd3: {  	[sflag:s10] =	ssyncadd.s32 $0xFFFFFF80  }
.LBB2_15:
0xd4: {  	s2 =	sshll.u32 s24, $0x9  }
0xd5: {  	s2 =	sshra.s32 s2, $0x2  }
0xd6: {  	v1 =	vld [tilespmem:s2+$0x7988];
	_ =	sdelay $0x3  }
0xd7: {  	s0 =	sshra.s32 s0, $0x2  }
0xd8: {  	[tilespmem:s0+$0x108] =	vst.add.f32.msk $0xffff, v1  }
0xd9: {  	v1 =	vld [tilespmem:s2+$0x7998];
	_ =	sdelay $0x4  }
0xda: {  	[tilespmem:s0+$0x118] =	vst.add.f32.msk $0xffff, v1  }
0xdb: {  	v1 =	vld [tilespmem:s2+$0x79A8];
	_ =	sdelay $0x4  }
0xdc: {  	[tilespmem:s0+$0x128] =	vst.add.f32.msk $0xffff, v1  }
0xdd: {  	v1 =	vld [tilespmem:s2+$0x79B8];
	_ =	sdelay $0x4  }
0xde: {  	[tilespmem:s0+$0x138] =	vst.add.f32.msk $0xffff, v1  }
0xdf: {  	v1 =	vld [tilespmem:s2+$0x79C8];
	_ =	sdelay $0x4  }
0xe0: {  	[tilespmem:s0+$0x148] =	vst.add.f32.msk $0xffff, v1  }
0xe1: {  	v1 =	vld [tilespmem:s2+$0x79D8];
	_ =	sdelay $0x4  }
0xe2: {  	[tilespmem:s0+$0x158] =	vst.add.f32.msk $0xffff, v1  }
0xe3: {  	v1 =	vld [tilespmem:s2+$0x79E8];
	_ =	sdelay $0x4  }
0xe4: {  	[tilespmem:s0+$0x168] =	vst.add.f32.msk $0xffff, v1  }
0xe5: {  	v1 =	vld [tilespmem:s2+$0x79F8];
	_ =	sdelay $0x2  }
0xe6: {  	p2 =	sgt.u32 s25, $0x3FFFF0  }
0xe7: {  	s2 =	sand.u32 @!p2 $0x3FFFF8, s25  }
0xe8: {  	s4 =	sadd.s32 $0x108, s0;
	[tilespmem:s0+$0x178] =	vst.add.f32.msk $0xffff, v1;
	s0 =	sadd.s32 @!p2 s1, s2;
	s2 =	sand.u32 @!p2 $0x7, s25  }
0xe9: {  	[hbm4b:s0+s2] =	stream.linear.scatter @!p2 [tilespmem:s4], [sflag:$0xA], $0x80, $0x38;
	[tilespmem:$0x1F6E8] =	vst v63  }
0xea: {  	s0 =	simm.s32 $0x0  }
0xeb: {  	s0 =	simm.s32 @!p2 $0x200  }
0xec: {  	s28 =	sadd.s32 s0, s28  }
.LBB2_16:
0xed: {  	s0 =	sadd.s32 $0x1, s19  }
0xee: {  	s2 =	smulhi.u32 $0x88888889, s0;
	_ =	sdelay $0x1  }
0xef: {  	v1 =	vld [tilespmem:s22+$0xFFFFFFC0];
	s2 =	sshrl.u32 s2, $0x7  }
0xf0: {  	s2 =	smul.u32 $0xF0, s2;
	_ =	sdelay $0x1  }
0xf1: {  	s19 =	ssub.s32 s0, s2  }
0xf2: {  	s0 =	sshll.u32 s19, $0x7  }
0xf3: {  	[tilespmem:s0+$0x108] =	vst v1  }
0xf4: {  	v1 =	vld [tilespmem:s22+$0xFFFFFFD0];
	_ =	sdelay $0x4  }
0xf5: {  	[tilespmem:s0+$0x118] =	vst v1  }
0xf6: {  	v1 =	vld [tilespmem:s22+$0xFFFFFFE0];
	_ =	sdelay $0x4  }
0xf7: {  	[tilespmem:s0+$0x128] =	vst v1  }
0xf8: {  	v1 =	vld [tilespmem:s22+$0xFFFFFFF0];
	_ =	sdelay $0x4  }
0xf9: {  	[tilespmem:s0+$0x138] =	vst v1  }
0xfa: {  	v1 =	vld [tilespmem:s22+$0x0];
	_ =	sdelay $0x4  }
0xfb: {  	[tilespmem:s0+$0x148] =	vst v1  }
0xfc: {  	v1 =	vld [tilespmem:s22+$0x10];
	_ =	sdelay $0x4  }
0xfd: {  	[tilespmem:s0+$0x158] =	vst v1  }
0xfe: {  	v1 =	vld [tilespmem:s22+$0x20];
	_ =	sdelay $0x4  }
0xff: {  	[tilespmem:s0+$0x168] =	vst v1  }
0x100: {  	v1 =	vld [tilespmem:s22+$0x30]  }
.Ltmp15:
0x101: {  	_ = 	snop;
	(pc) =	sbr.rel .LBB2_17-.Ltmp15, $2  }
0x102: {  	_ =	sdelay $0x2  }
0x103: {  	s24 =	sadd.s32 $0x1, s24;
	[tilespmem:s0+$0x178] =	vst v1  }
.LBB2_19:
.Ltmp16:
0x104: {  	(pc) =	sbr.rel .LBB2_20-.Ltmp16, $4  }
0x105: {  	_ = 	snop  }
0x106: {  	s0 =	simm.s32 $0x2  }
0x107: {  	_ =	swait.ge [sflag:s0], $0x0  }
0x108: {  	s26 =	smov.u32 s25;
	[sflag:s0] =	ssyncset.done $0x0;
	s0 =	simm.s32 $0x0  }
.LBB2_22:
0x109: {  	_ =	sfence.sel $0x180000  }
0x10a: {  	s0 =	simm.s32 $0x7;
	[bflag:$0x0] =	sbarrier.arrive $0xFFFF  }
0x10b: {  	s24 =	simm.s32 $0x8;
	[sflag:s0] =	ssyncpa.u1 $0x1  }
0x10c: {  	s25 =	simm.s32 $0x9;
	[sflag:s24] =	ssyncpa.u1 $0x1  }
0x10d: {  	s26 =	simm.s32 $0x2;
	[sflag:s25] =	ssyncpa.u1 $0x1  }
0x10e: {  	[sflag:s26] =	ssyncpa.u1 $0x1  }
0x10f: {  	v0 =	vld [tilespmem:$0xF208];
	_ =	sdelay $0x4  }
0x110: {  	(v2sf) =	vpush v0, $0x0  }
0x111: {  	(v2sf) =	vpush v0, $0x1;
	_ =	sdelay $0x1  }
0x112: {  	(v2sf) =	vpush v0, $0x2;
	_ =	sdelay $0xb  }
0x113: {  	s0 =	spop (v2sf)  }
0x114: {  	s2 =	spop (v2sf)  }
0x115: {  	s3 =	smov.u32 s0;
	p1 =	sne.s32 s0, s2  }
0x116: {  	s4 =	spop (v2sf);
	s3 =	simm.s32 @!p1 $0xFFFFFFFF  }
0x117: {  	v2 =	vimm.s32 $0x1;
	v3 =	vlaneseq.u32;
	p1 =	seq.s32 s4, $0xFFFFFFFF;
	v1 =	vmov s3  }
0x118: {  	s28 =	stileid.u32;
	v0 =	vperm.xlane v0, v2;
	p2 =	sne.s32 @!p1 s0, s2;
	v1 =	vperm.xlane v1, v3  }
0x119: {  	vm0 =	vcmask $0x3F04;
	s6 =	simm.s32 $0xF208;
	s0 =	simm.s32 @!p1 $0x1;
	p2 =	por !p2, p1  }
0x11a: {  	s3 =	sshll.u32 s28, $0x1;
	s2 =	sshll.u32 @!p1 s4, $0x9;
	s0 =	simm.s32 @p2 $0x0;
	v0 =	vsel vm0, v1, v0  }
0x11b: {  	s5 =	sor.u32 $0x1000, s3;
	s2 =	sshra.s32 @!p1 s2, $0x2;
	s0 =	sor.u32 @!p1 s0, s3;
	[tilespmem:$0xF208] =	vst v0  }
0x11c: {  	[spmem:s5] =	stream.linear.scatter [tilespmem:s6], [sflag:$0x1], $0x2, $0x38;
	[tilespmem:$0x1F6E8] =	vst v63  }
0x11d: {  	s2 =	sadd.s32 @!p1 $0x108, s2;
	s0 =	sshll.u32 @!p1 s0, $0x7  }
0x11e: {  	[spmem:s0] =	stream.linear.scatter @!p1 [tilespmem:s2], [sflag:$0x1], $0x80, $0x38;
	[tilespmem:$0x1F6E8] =	vst v63  }
0x11f: {  	s0 =	simm.s32 @!p1 $0x82  }
0x120: {  	s2 =	simm.s32 $0x1;
	s0 =	simm.s32 @p1 $0x2  }
0x121: {  	_ =	swait.ge [sflag:s2], s0  }
0x122: {  	s0 =	ssub.s32 $0x0, s0;
	[sflag:s2] =	ssyncset.done $0x0  }
0x123: {  	[sflag:s2] =	ssyncadd.s32 s0  }
0x124: {  	_ =	sfence.stream.spmem  }
0x125: {  	s29 =	simm.s32 $0x3;
	[bflag:$0x0] =	sbarrier.arrive $0xFFFF  }
0x126: {  	s30 =	simm.s32 $0x4;
	[sflag:s29] =	ssyncpa.u1 $0x1  }
0x127: {  	s31 =	simm.s32 $0x3C;
	[sflag:s30] =	ssyncpa.u1 $0x1  }
0x128: {  	[sflag:s31] =	ssyncpa.u1 $0x1  }
0x129: {  	_ =	sfence @p0  }
0x12a: {  	[sflag:s2] =	ssyncpa.u1 @p0 $0x1  }
0x12b: {  	_ =	strace @p0 $0x90000047  }
0x12c: {  	[bflag:$0x2] =	sbarrier.arrive @p0 $0xFFFF  }
0x12d: {  	_ =	shalt @p0  }
.LBB2_23:
0x12e: {  	_ =	sfence.stream.spmem;
	s0 =	simm.s32 $0x5  }
0x12f: {  	s2 =	simm.s32 $0x1000;
	s3 =	simm.s32 $0xF218;
	[sflag:s0] =	ssyncpa.u1 $0x0  }
0x130: {  	[tilespmem:s3], [sflag:$0x5] =	stream.linear.gather [spmem:s2], $0x20, $0x38;
	[tilespmem:$0x1F6E8] =	vst v63  }
0x131: {  	s30 =	simm.s32 $0xF238;
	s2 =	simm.s32 $0x0  }
0x132: {  	[tilespmem:s30], [sflag:$0x5] =	stream.linear.gather [spmem:s2], $0x1000, $0x38;
	[tilespmem:$0x1F6E8] =	vst v63  }
.Ltmp17:
0x133: {  	_ = 	snop;
	(pc) =	sbr.rel .LBB2_24-.Ltmp17, $4  }
0x134: {  	_ =	swait.ge [sflag:s0], $0x1020  }
0x135: {  	[sflag:s0] =	ssyncset.done $0x0  }
0x136: {  	s31 =	simm.s32 $0x6;
	[sflag:s0] =	ssyncadd.s32 $0xFFFFEFE0  }
0x137: {  	s3 =	simm.s32 $0x0;
	[sflag:s31] =	ssyncpa.u1 $0x0  }
.LBB2_30:
0x138: {  	p0 =	slt.u32 s4, $0x3FFFF1  }
0x139: {  	s0 =	sand.u32 @p0 $0x3FFFF8, s4  }
0x13a: {  	s4 =	sand.u32 @p0 $0x7, s4;
	s5 =	simm.s32 @p0 $0xF188;
	s0 =	sadd.s32 @p0 s1, s0  }
0x13b: {  	[tilespmem:s5], [sflag:$0x6] =	stream.linear.gather @p0 [hbm4b:s0+s4], $0x80, $0x38;
	[tilespmem:$0x1F6E8] =	vst v63  }
0x13c: {  	s0 =	simm.s32 @p0 $0x6  }
0x13d: {  	_ =	swait.ge @p0 [sflag:s0], $0x80  }
0x13e: {  	[sflag:s0] =	ssyncset.done @p0 $0x0  }
0x13f: {  	[sflag:s0] =	ssyncadd.s32 @p0 $0xFFFFFF80  }
0x140: {  	v1 =	vld @p0 [tilespmem:$0xF188];
	_ =	sdelay $0x2  }
0x141: {  	s0 =	sshll.u32 @p0 s3, $0x9  }
0x142: {  	s4 =	sshrl.u32 @p0 s0, $0x2  }
0x143: {  	[tilespmem:s4+$0xF238] =	vst.add.f32.msk @p0 $0xffff, v1  }
0x144: {  	v1 =	vld @p0 [tilespmem:$0xF198];
	_ =	sdelay $0x4  }
0x145: {  	[tilespmem:s4+$0xF248] =	vst.add.f32.msk @p0 $0xffff, v1  }
0x146: {  	v1 =	vld @p0 [tilespmem:$0xF1A8];
	_ =	sdelay $0x4  }
0x147: {  	[tilespmem:s4+$0xF258] =	vst.add.f32.msk @p0 $0xffff, v1  }
0x148: {  	v1 =	vld @p0 [tilespmem:$0xF1B8];
	_ =	sdelay $0x4  }
0x149: {  	[tilespmem:s4+$0xF268] =	vst.add.f32.msk @p0 $0xffff, v1  }
0x14a: {  	v1 =	vld @p0 [tilespmem:$0xF1C8];
	_ =	sdelay $0x4  }
0x14b: {  	[tilespmem:s4+$0xF278] =	vst.add.f32.msk @p0 $0xffff, v1  }
0x14c: {  	v1 =	vld @p0 [tilespmem:$0xF1D8];
	_ =	sdelay $0x4  }
0x14d: {  	[tilespmem:s4+$0xF288] =	vst.add.f32.msk @p0 $0xffff, v1  }
0x14e: {  	v1 =	vld @p0 [tilespmem:$0xF1E8];
	_ =	sdelay $0x4  }
0x14f: {  	[tilespmem:s4+$0xF298] =	vst.add.f32.msk @p0 $0xffff, v1  }
0x150: {  	v1 =	vld @p0 [tilespmem:$0xF1F8];
	_ =	sdelay $0x3  }
0x151: {  	s5 =	sshll.u32 @!p0 s3, $0x9  }
0x152: {  	s5 =	smov.u32 @p0 s0;
	[tilespmem:s4+$0xF2A8] =	vst.add.f32.msk @p0 $0xffff, v1  }
0x153: {  	s0 =	sshrl.u32 s5, $0x2;
	[tilespmem:s2+$0xF218] =	vst.msk $0x1, v0  }
0x154: {  	v0 =	vld [tilespmem:s0+$0xF238];
	_ =	sdelay $0x2  }
0x155: {  	s31 =	sshll.u32 s2, $0x9  }
0x156: {  	s4 =	sshra.s32 s31, $0x2  }
0x157: {  	[tilespmem:s4+$0xF238] =	vst v0  }
0x158: {  	v0 =	vld [tilespmem:s0+$0xF248];
	_ =	sdelay $0x4  }
0x159: {  	[tilespmem:s4+$0xF248] =	vst v0  }
0x15a: {  	v0 =	vld [tilespmem:s0+$0xF258];
	_ =	sdelay $0x4  }
0x15b: {  	[tilespmem:s4+$0xF258] =	vst v0  }
0x15c: {  	v0 =	vld [tilespmem:s0+$0xF268];
	_ =	sdelay $0x4  }
0x15d: {  	[tilespmem:s4+$0xF268] =	vst v0  }
0x15e: {  	v0 =	vld [tilespmem:s0+$0xF278];
	_ =	sdelay $0x4  }
0x15f: {  	[tilespmem:s4+$0xF278] =	vst v0  }
0x160: {  	v0 =	vld [tilespmem:s0+$0xF288];
	_ =	sdelay $0x4  }
0x161: {  	[tilespmem:s4+$0xF288] =	vst v0  }
0x162: {  	v0 =	vld [tilespmem:s0+$0xF298];
	_ =	sdelay $0x4  }
0x163: {  	[tilespmem:s4+$0xF298] =	vst v0  }
0x164: {  	v0 =	vld [tilespmem:s0+$0xF2A8];
	_ =	sdelay $0x4  }
0x165: {  	s2 =	sadd.s32 $0x1, s2;
	[tilespmem:s4+$0xF2A8] =	vst v0  }
.LBB2_31:
0x166: {  	s3 =	sadd.s32 $0x1, s3  }
0x167: {  	p0 =	sne.s32 s3, $0x20  }
.Ltmp18:
0x168: {  	_ = 	snop;
	(pc) =	sbr.rel @!p0 .LBB2_32-.Ltmp18, $1  }
0x169: {  	_ =	sdelay $0x3  }
.LBB2_24:
0x16a: {  	v0 =	vld.msk [tilespmem:s3+$0xF218], $0x1;
	_ =	sdelay $0x4  }
0x16b: {  	(v2sf) =	vpush v0, $0x0;
	_ =	sdelay $0xe  }
0x16c: {  	s4 =	spop (v2sf)  }
0x16d: {  	p0 =	seq.s32 s4, $0xFFFFFFFF  }
.Ltmp19:
0x16e: {  	_ = 	snop;
	(pc) =	sbr.rel @p0 .LBB2_31-.Ltmp19, $1  }
0x16f: {  	_ =	sdelay $0x3  }
0x170: {  	p0 =	slt.s32 s2, $0x1  }
.Ltmp20:
0x171: {  	_ = 	snop;
	(pc) =	sbr.rel @p0 .LBB2_30-.Ltmp20, $1  }
0x172: {  	_ =	sdelay $0x3  }
0x173: {  	s5 =	simm.s32 $0xF218;
	p0 =	por $0x0, $0x0  }
0x174: {  	v1 =	vld.msk @!p0 [tilespmem:s5+$0x0], $0x1;
	_ =	sdelay $0x4  }
0x175: {  	(v2sf) =	vpush @!p0 v1, $0x0;
	_ =	sdelay $0xd  }
0x176: {  	p2 =	sne.s32 s2, $0x1  }
.Ltmp21:
0x177: {  	s0 =	spop @!p0 (v2sf);
	(pc) =	sbr.rel @!p2 .LBB2_28-.Ltmp21, $4  }
0x178: {  	p1 =	seq.s32 @!p0 s4, s0  }
0x179: {  	s6 =	simm.s32 $0x0;
	p1 =	por !p1, p0  }
0x17a: {  	s0 =	simm.s32 $0xFFFFFFFF;
	s6 =	simm.s32 @p1 $0xFFFFFFFF  }
0x17b: {  	s7 =	simm.s32 $0x1;
	s6 =	smov.u32 @p0 s0  }
.LBB2_27:
0x17c: {  	s0 =	smov.u32 s6;
	p0 =	sne.s32 s6, $0xFFFFFFFF  }
0x17d: {  	s5 =	sadd.s32 $0x1, s5;
	s6 =	smov.u32 s7;
	s7 =	sadd.s32 $0x1, s7  }
0x17e: {  	p1 =	sne.s32 s2, s7;
	v1 =	vld.msk @!p0 [tilespmem:s5+$0x0], $0x1;
	_ =	sdelay $0x4  }
0x17f: {  	(v2sf) =	vpush @!p0 v1, $0x0;
	_ =	sdelay $0xe  }
.Ltmp22:
0x180: {  	s8 =	spop @!p0 (v2sf);
	(pc) =	sbr.rel @p1 .LBB2_27-.Ltmp22, $4  }
0x181: {  	p2 =	seq.s32 @!p0 s4, s8  }
0x182: {  	p2 =	por !p2, p0  }
0x183: {  	s6 =	simm.s32 @p2 $0xFFFFFFFF  }
0x184: {  	s6 =	smov.u32 @p0 s0  }
.LBB2_28:
0x185: {  	p0 =	seq.s32 s6, $0xFFFFFFFF  }
.Ltmp23:
0x186: {  	_ = 	snop;
	(pc) =	sbr.rel @p0 .LBB2_30-.Ltmp23, $1  }
0x187: {  	_ =	sdelay $0x3  }
0x188: {  	s0 =	sshll.u32 s3, $0x7  }
0x189: {  	s0 =	sand.u32 $0x3FFFFF80, s0  }
0x18a: {  	v0 =	vld [tilespmem:s0+$0xF238];
	_ =	sdelay $0x2  }
0x18b: {  	s4 =	sshll.u32 s6, $0x9  }
0x18c: {  	s4 =	sshra.s32 s4, $0x2  }
0x18d: {  	[tilespmem:s4+$0xF238] =	vst.add.f32.msk $0xffff, v0  }
0x18e: {  	v0 =	vld [tilespmem:s0+$0xF248];
	_ =	sdelay $0x4  }
0x18f: {  	[tilespmem:s4+$0xF248] =	vst.add.f32.msk $0xffff, v0  }
0x190: {  	v0 =	vld [tilespmem:s0+$0xF258];
	_ =	sdelay $0x4  }
0x191: {  	[tilespmem:s4+$0xF258] =	vst.add.f32.msk $0xffff, v0  }
0x192: {  	v0 =	vld [tilespmem:s0+$0xF268];
	_ =	sdelay $0x4  }
0x193: {  	[tilespmem:s4+$0xF268] =	vst.add.f32.msk $0xffff, v0  }
0x194: {  	v0 =	vld [tilespmem:s0+$0xF278];
	_ =	sdelay $0x4  }
0x195: {  	[tilespmem:s4+$0xF278] =	vst.add.f32.msk $0xffff, v0  }
0x196: {  	v0 =	vld [tilespmem:s0+$0xF288];
	_ =	sdelay $0x4  }
0x197: {  	[tilespmem:s4+$0xF288] =	vst.add.f32.msk $0xffff, v0  }
0x198: {  	v0 =	vld [tilespmem:s0+$0xF298];
	_ =	sdelay $0x4  }
0x199: {  	[tilespmem:s4+$0xF298] =	vst.add.f32.msk $0xffff, v0  }
0x19a: {  	v0 =	vld [tilespmem:s0+$0xF2A8]  }
.Ltmp24:
0x19b: {  	_ = 	snop;
	(pc) =	sbr.rel .LBB2_31-.Ltmp24, $2  }
0x19c: {  	_ =	sdelay $0x2  }
0x19d: {  	[tilespmem:s4+$0xF2A8] =	vst.add.f32.msk $0xffff, v0  }
.LBB2_32:
0x19e: {  	p0 =	slt.s32 s2, $0x1  }
.Ltmp25:
0x19f: {  	_ = 	snop;
	(pc) =	sbr.rel @p0 .LBB2_36-.Ltmp25, $3  }
0x1a0: {  	_ =	sdelay $0x1  }
0x1a1: {  	s0 =	simm.s32 $0x6  }
0x1a2: {  	s3 =	simm.s32 $0x0;
	[sflag:s0] =	ssyncpa.u1 $0x1  }
0x1a3: {  	s0 =	simm.s32 $0xF218  }
0x1a4: {  	v0 =	vld.msk [tilespmem:s0+$0x0], $0x1;
	_ =	sdelay $0x4  }
0x1a5: {  	(v2sf) =	vpush v0, $0x0;
	_ =	sdelay $0xd  }
0x1a6: {  	s2 =	sadd.s32 $0xFFFFFFFF, s2  }
0x1a7: {  	p1 =	sne.s32 s2, $0x0;
	s0 =	spop (v2sf)  }
.Ltmp26:
0x1a8: {  	p0 =	sgt.u32 s0, $0x3FFFF0;
	(pc) =	sbr.rel @!p1 .LBB2_35-.Ltmp26, $4  }
0x1a9: {  	s4 =	simm.s32 $0xF238;
	s5 =	sand.u32 @!p0 $0x3FFFF8, s0  }
0x1aa: {  	s6 =	simm.s32 $0x0;
	s0 =	sand.u32 @!p0 $0x7, s0;
	s5 =	sadd.s32 @!p0 s1, s5  }
0x1ab: {  	[hbm4b:s5+s0] =	stream.linear.scatter @!p0 [tilespmem:s4], [sflag:$0x5], $0x80, $0x38;
	[tilespmem:$0x1F6E8] =	vst v63  }
0x1ac: {  	s6 =	simm.s32 @!p0 $0x200;
	s5 =	simm.s32 $0xF219  }
.LBB2_34:
0x1ad: {  	v0 =	vld.msk [tilespmem:s5+$0x0], $0x1;
	s2 =	sadd.s32 $0xFFFFFFFF, s2;
	s3 =	sadd.s32 s3, s6  }
0x1ae: {  	p0 =	sne.s32 s2, $0x0;
	_ =	sdelay $0x3  }
0x1af: {  	(v2sf) =	vpush v0, $0x0;
	_ =	sdelay $0xe  }
.Ltmp27:
0x1b0: {  	s0 =	spop (v2sf);
	(pc) =	sbr.rel @p0 .LBB2_34-.Ltmp27, $4  }
0x1b1: {  	s6 =	simm.s32 $0x0;
	p1 =	sgt.u32 s0, $0x3FFFF0  }
0x1b2: {  	s4 =	sadd.s32 $0x80, s4;
	s6 =	simm.s32 @!p1 $0x200;
	s7 =	sand.u32 @!p1 $0x3FFFF8, s0  }
0x1b3: {  	s5 =	sadd.s32 $0x1, s5;
	s0 =	sand.u32 @!p1 $0x7, s0;
	s7 =	sadd.s32 @!p1 s1, s7  }
0x1b4: {  	[hbm4b:s7+s0] =	stream.linear.scatter @!p1 [tilespmem:s4], [sflag:$0x5], $0x80, $0x38;
	[tilespmem:$0x1F6E8] =	vst v63  }
.LBB2_35:
0x1b5: {  	s0 =	sadd.s32 s3, s6  }
0x1b6: {  	s3 =	sshrl.u32 s0, $0x2  }
.LBB2_36:
0x1b7: {  	s0 =	simm.s32 $0x5  }
0x1b8: {  	_ =	swait.ge [sflag:s0], s3  }
0x1b9: {  	s1 =	ssub.s32 $0x0, s3;
	[sflag:s0] =	ssyncset.done $0x0  }
0x1ba: {  	[sflag:s0] =	ssyncadd.s32 s1  }
0x1bb: {  	[sflag:s0] =	ssyncpa.u1 $0x1  }
0x1bc: {  	s30 =	simm.s32 $0x1;
	_ =	sfence  }
0x1bd: {  	[sflag:s30] =	ssyncpa.u1 $0x1  }
0x1be: {  	_ =	strace $0x90000047  }
0x1bf: {  	[bflag:$0x2] =	sbarrier.arrive $0xFFFF  }
0x1c0: {  	s31 =	rddreg [dreg:$0x2]  }
0x1c1: {  	s0 =	sadd.s32 $0x100000, s31  }
0x1c2: {  	[sflag:s0] =	ssyncadd.tile.s32 $0x1;
	_ =	shalt  }
.Lfunc_end2:
_tile_overlayer_lowered:
.L_overlay_start_2:
0x1c3: {  	(tag) =	ssettag $0x2  }
0x1c4: {  	s0 =	rddreg [dreg:$0x0];
	s2 =	stileid.u32  }
0x1c5: {  	s1 =	rddreg [dreg:$0x1];
	p0 =	sne.s32 s2, $0x0  }
0x1c6: {  	s3 =	rddreg [dreg:$0x2];
	[bflag:$0x3] =	sbarrier.arrive $0xFFFF;
	s2 =	simm.s32 @!p0 $0x1C01  }
0x1c7: {  	[timem:s3], [sflag:s2] =	dma.local @!p0 [hbm:s0], s1  }
0x1c8: {  	s0 =	simm.s32 @!p0 $0x1  }
0x1c9: {  	_ =	swait.ge @!p0 [sflag:s0], s1  }
0x1ca: {  	s1 =	ssub.s32 @!p0 $0x0, s1;
	[sflag:s0] =	ssyncset.done @!p0 $0x0  }
0x1cb: {  	[sflag:s0] =	ssyncadd.s32 @!p0 s1  }
0x1cc: {  	[bflag:$0x3] =	sbarrier.arrive $0xFFFF  }
0x1cd: {  	_ =	shalt  }

</sc_bundles>
